<compile_context>
chip_gen: v7x
topology: tpu7x:2x2x1
jax: 0.10.2.dev20260603
libtpu: 0.0.44.dev20260713+nightly
codegen_flags: <defaults>
</compile_context>

<pallas_src>
import jax
import jax.numpy as jnp
from jax import lax
from jax.experimental import pallas as pl
from jax.experimental.pallas import tpu as pltpu
from jax.experimental.pallas import tpu_sc as plsc

_B, _F, _T = 4, 4096, 1024
_RB = 2048
_NC, _NS = 2, 16
_NW = _NC * _NS
_EPW = _F // _NW


def _sc_gather_body(table_hbm, pos_hbm, out_hbm, table_v, idx_v, out_v):
    wid = lax.axis_index("s") * _NC + lax.axis_index("c")
    base = wid * _EPW
    pltpu.sync_copy(table_hbm, table_v.at[pl.ds(0, _F)])
    pltpu.sync_copy(pos_hbm.at[pl.ds(base, _EPW)], idx_v)
    for g in range(_EPW // 16):
        iv = idx_v[pl.ds(g * 16, 16)]
        for lane in range(16):
            j = g * 16 + lane
            out_v[pl.ds(j, 16)] = table_v[pl.ds(iv[lane], 16)]
    pltpu.sync_copy(out_v.at[pl.ds(0, _EPW)], out_hbm.at[pl.ds(base, _EPW)])


def _sc_gather(pos_embed_weight, pos):
    flat = pl.kernel(
        _sc_gather_body,
        out_type=jax.ShapeDtypeStruct((_F,), jnp.float32),
        mesh=plsc.VectorSubcoreMesh(core_axis_name="c", subcore_axis_name="s"),
        scratch_types=[
            pltpu.VMEM((_F + 16,), jnp.float32),
            pltpu.VMEM((_EPW,), jnp.int32),
            pltpu.VMEM((_EPW + 16,), jnp.float32),
        ],
    )(pos_embed_weight.reshape(_F), pos)
    return flat.reshape(_F, 1)


def _add_kernel(x_ref, w_ref, o_ref):
    o_ref[...] = x_ref[...] + w_ref[...][None]


def kernel(x, pos_embed_weight, pos):
    gathered = _sc_gather(pos_embed_weight, pos)
    grid = (_B, _F // _RB)
    out = pl.pallas_call(
        _add_kernel,
        grid=grid,
        in_specs=[
            pl.BlockSpec((1, _RB, _T), lambda b, r: (b, r, 0)),
            pl.BlockSpec((_RB, 1), lambda b, r: (r, 0)),
        ],
        out_specs=pl.BlockSpec((1, _RB, _T), lambda b, r: (b, r, 0)),
        out_shape=jax.ShapeDtypeStruct((_B, _F, _T), jnp.float32),
        compiler_params=pltpu.CompilerParams(
            dimension_semantics=("parallel", "parallel"),
        ),
    )(x, gathered)
    return out

# --- scband reference (transcript-rebuilt; emitter-appended) ---
"""Pipeline reference for scband-trainable-region-embedding-4801773437548 (READ-ONLY COPY).

The authoritative reference and input builder live on the scoring server;
editing this copy changes nothing except your own understanding.
"""

import jax, jax.numpy as jnp
import numpy as np

IN_FEATURES = 4096

def setup_inputs(seed: int = 0) -> dict:
    key = jax.random.key(seed)
    k1, k2 = jax.random.split(key)
    x = jax.random.normal(k1, (4, IN_FEATURES, 1024), dtype=jnp.float32)
    # learned positional embedding table, matches nn.Embedding(in_features, 1) default init N(0,1)
    pos_embed_weight = jax.random.normal(k2, (IN_FEATURES, 1), dtype=jnp.float32)
    pos = jnp.arange(IN_FEATURES, dtype=jnp.int32)
    return {"x": x, "pos_embed_weight": pos_embed_weight, "pos": pos}

def reference(x, pos_embed_weight, pos):
    # embedding lookup: table[pos] -> [in_features, 1]; unsqueeze(0) -> [1, in_features, 1]
    pos_embed = jnp.take(pos_embed_weight, pos, axis=0)[None, :, :]
    return x + pos_embed

if __name__ == "__main__":
    import jax
    _d = setup_inputs()
    print(jax.jit(kernel)(*tuple(_d.values())))

</pallas_src>

<mosaic_0001>
#map = affine_map<(d0, d1) -> (0)>
module attributes {stable_mosaic.version = 14 : i64} {
  func.func @_sc_gather_body(%arg0: i32, %arg1: i32, %arg2: memref<4096xf32, #tpu.memory_space<hbm>>, %arg3: memref<4096xi32, #tpu.memory_space<hbm>>, %arg4: memref<4096xf32, #tpu.memory_space<hbm>>, %arg5: memref<4112xf32, #tpu.memory_space<vmem>>, %arg6: memref<128xi32, #tpu.memory_space<vmem>>, %arg7: memref<144xf32, #tpu.memory_space<vmem>>) attributes {dimension_semantics = [#tpu.dimension_semantics<core_parallel>, #tpu.dimension_semantics<subcore_parallel>], iteration_bounds = array<i64: 2, 16>, scalar_prefetch = 0 : i64, scratch_operands = 3 : i64, tpu.core_type = #tpu.core_type<sc_vector_subcore>, window_params = [{transform_indices = #map}, {transform_indices = #map}, {transform_indices = #map}]} {
    %mul3A = arith.constant 2 : i32
    %mul3A_0 = arith.muli %arg1, %mul3A : i32
    %add3A = arith.addi %mul3A_0, %arg0 : i32
    %mul3A_1 = arith.constant 128 : i32
    %mul3A_2 = arith.muli %add3A, %mul3A_1 : i32
    "tpu.region"() ({
      %run_scoped3A = tpu.sem_alloc : memref<!tpu.dma_semaphore, #tpu.memory_space<semaphore_mem>>
      %dma_start3A = arith.constant 0 : i32
      %dma_start3A_1175 = tpu.memref_slice %arg5[%dma_start3A] : memref<4112xf32, #tpu.memory_space<vmem>> -> memref<4096xf32, #tpu.memory_space<vmem>>
      %dma_start3A_1176 = arith.constant 0 : i32
      %dma_start3A_1177 = tpu.memref_slice %arg5[%dma_start3A_1176] : memref<4112xf32, #tpu.memory_space<vmem>> -> memref<4096xf32, #tpu.memory_space<vmem>>
      tpu.enqueue_dma source(%arg2 : memref<4096xf32, #tpu.memory_space<hbm>>) target(%dma_start3A_1177 : memref<4096xf32, #tpu.memory_space<vmem>>) target_semaphore(%run_scoped3A : memref<!tpu.dma_semaphore, #tpu.memory_space<semaphore_mem>>)
      %dma_wait3A = arith.constant 0 : i32
      %dma_wait3A_1178 = tpu.memref_slice %arg5[%dma_wait3A] : memref<4112xf32, #tpu.memory_space<vmem>> -> memref<4096xf32, #tpu.memory_space<vmem>>
      %dma_wait3A_1179 = arith.constant 0 : i32
      %dma_wait3A_1180 = tpu.memref_slice %arg5[%dma_wait3A_1179] : memref<4112xf32, #tpu.memory_space<vmem>> -> memref<4096xf32, #tpu.memory_space<vmem>>
      tpu.wait_dma2 semaphore(%run_scoped3A : memref<!tpu.dma_semaphore, #tpu.memory_space<semaphore_mem>>) src(%arg2 : memref<4096xf32, #tpu.memory_space<hbm>>) dst(%dma_wait3A_1180 : memref<4096xf32, #tpu.memory_space<vmem>>)
      tpu.yield
    }) : () -> ()
    "tpu.region"() ({
      %run_scoped3A = tpu.sem_alloc : memref<!tpu.dma_semaphore, #tpu.memory_space<semaphore_mem>>
      %dma_start3A = tpu.memref_slice %arg3[%mul3A_2] : memref<4096xi32, #tpu.memory_space<hbm>> -> memref<128xi32, #tpu.memory_space<hbm>>
      %dma_start3A_1175 = tpu.memref_slice %arg3[%mul3A_2] : memref<4096xi32, #tpu.memory_space<hbm>> -> memref<128xi32, #tpu.memory_space<hbm>>
      tpu.enqueue_dma source(%dma_start3A_1175 : memref<128xi32, #tpu.memory_space<hbm>>) target(%arg6 : memref<128xi32, #tpu.memory_space<vmem>>) target_semaphore(%run_scoped3A : memref<!tpu.dma_semaphore, #tpu.memory_space<semaphore_mem>>)
      %dma_wait3A = tpu.memref_slice %arg3[%mul3A_2] : memref<4096xi32, #tpu.memory_space<hbm>> -> memref<128xi32, #tpu.memory_space<hbm>>
      %dma_wait3A_1176 = tpu.memref_slice %arg3[%mul3A_2] : memref<4096xi32, #tpu.memory_space<hbm>> -> memref<128xi32, #tpu.memory_space<hbm>>
      tpu.wait_dma2 semaphore(%run_scoped3A : memref<!tpu.dma_semaphore, #tpu.memory_space<semaphore_mem>>) src(%dma_wait3A_1176 : memref<128xi32, #tpu.memory_space<hbm>>) dst(%arg6 : memref<128xi32, #tpu.memory_space<vmem>>)
      tpu.yield
    }) : () -> ()
    %get3A = arith.constant 0 : index
    %get3A_3 = tpu.vector_load %arg6[%get3A] {strides = array<i32>} : memref<128xi32, #tpu.memory_space<vmem>>, vector<16xi32>,
    %get3A_4 = vector.shape_cast %get3A_3 : vector<16xi32> to vector<16xi32>
    %slice3A = vector.extract_strided_slice %get3A_4 {offsets = [0], sizes = [1], strides = [1]} : vector<16xi32> to vector<1xi32>
    %squeeze3A = vector.extract %slice3A[0] : i32 from vector<1xi32>
    %get3A_5 = arith.index_cast %squeeze3A : i32 to index
    %get3A_6 = tpu.vector_load %arg5[%get3A_5] {strides = array<i32>} : memref<4112xf32, #tpu.memory_space<vmem>>, vector<16xf32>,
    %get3A_7 = vector.shape_cast %get3A_6 : vector<16xf32> to vector<16xf32>
    %swap3A = arith.constant 0 : index
    %swap3A_8 = tpu.vector_load %arg7[%swap3A] {strides = array<i32>} : memref<144xf32, #tpu.memory_space<vmem>>, vector<16xf32>,
    %swap3A_9 = vector.shape_cast %swap3A_8 : vector<16xf32> to vector<16xf32>
    %swap3A_10 = vector.shape_cast %get3A_7 : vector<16xf32> to vector<16xf32>
    tpu.vector_store %arg7[%swap3A], %swap3A_10 {strides = array<i32>} : memref<144xf32, #tpu.memory_space<vmem>>, vector<16xf32>,
    %slice3A_11 = vector.extract_strided_slice %get3A_4 {offsets = [1], sizes = [1], strides = [1]} : vector<16xi32> to vector<1xi32>
    %squeeze3A_12 = vector.extract %slice3A_11[0] : i32 from vector<1xi32>
    %get3A_13 = arith.index_cast %squeeze3A_12 : i32 to index
    %get3A_14 = tpu.vector_load %arg5[%get3A_13] {strides = array<i32>} : memref<4112xf32, #tpu.memory_space<vmem>>, vector<16xf32>,
    %get3A_15 = vector.shape_cast %get3A_14 : vector<16xf32> to vector<16xf32>
    %swap3A_16 = arith.constant 1 : index
    %swap3A_17 = tpu.vector_load %arg7[%swap3A_16] {strides = array<i32>} : memref<144xf32, #tpu.memory_space<vmem>>, vector<16xf32>,
    %swap3A_18 = vector.shape_cast %swap3A_17 : vector<16xf32> to vector<16xf32>
    %swap3A_19 = vector.shape_cast %get3A_15 : vector<16xf32> to vector<16xf32>
    tpu.vector_store %arg7[%swap3A_16], %swap3A_19 {strides = array<i32>} : memref<144xf32, #tpu.memory_space<vmem>>, vector<16xf32>,
    %slice3A_20 = vector.extract_strided_slice %get3A_4 {offsets = [2], sizes = [1], strides = [1]} : vector<16xi32> to vector<1xi32>
    %squeeze3A_21 = vector.extract %slice3A_20[0] : i32 from vector<1xi32>
    %get3A_22 = arith.index_cast %squeeze3A_21 : i32 to index
    %get3A_23 = tpu.vector_load %arg5[%get3A_22] {strides = array<i32>} : memref<4112xf32, #tpu.memory_space<vmem>>, vector<16xf32>,
    %get3A_24 = vector.shape_cast %get3A_23 : vector<16xf32> to vector<16xf32>
    %swap3A_25 = arith.constant 2 : index
    %swap3A_26 = tpu.vector_load %arg7[%swap3A_25] {strides = array<i32>} : memref<144xf32, #tpu.memory_space<vmem>>, vector<16xf32>,
    %swap3A_27 = vector.shape_cast %swap3A_26 : vector<16xf32> to vector<16xf32>
    %swap3A_28 = vector.shape_cast %get3A_24 : vector<16xf32> to vector<16xf32>
    tpu.vector_store %arg7[%swap3A_25], %swap3A_28 {strides = array<i32>} : memref<144xf32, #tpu.memory_space<vmem>>, vector<16xf32>,
    %slice3A_29 = vector.extract_strided_slice %get3A_4 {offsets = [3], sizes = [1], strides = [1]} : vector<16xi32> to vector<1xi32>
    %squeeze3A_30 = vector.extract %slice3A_29[0] : i32 from vector<1xi32>
    %get3A_31 = arith.index_cast %squeeze3A_30 : i32 to index
    %get3A_32 = tpu.vector_load %arg5[%get3A_31] {strides = array<i32>} : memref<4112xf32, #tpu.memory_space<vmem>>, vector<16xf32>,
    %get3A_33 = vector.shape_cast %get3A_32 : vector<16xf32> to vector<16xf32>
    %swap3A_34 = arith.constant 3 : index
    %swap3A_35 = tpu.vector_load %arg7[%swap3A_34] {strides = array<i32>} : memref<144xf32, #tpu.memory_space<vmem>>, vector<16xf32>,
    %swap3A_36 = vector.shape_cast %swap3A_35 : vector<16xf32> to vector<16xf32>
    %swap3A_37 = vector.shape_cast %get3A_33 : vector<16xf32> to vector<16xf32>
    tpu.vector_store %arg7[%swap3A_34], %swap3A_37 {strides = array<i32>} : memref<144xf32, #tpu.memory_space<vmem>>, vector<16xf32>,
    %slice3A_38 = vector.extract_strided_slice %get3A_4 {offsets = [4], sizes = [1], strides = [1]} : vector<16xi32> to vector<1xi32>
    %squeeze3A_39 = vector.extract %slice3A_38[0] : i32 from vector<1xi32>
    %get3A_40 = arith.index_cast %squeeze3A_39 : i32 to index
    %get3A_41 = tpu.vector_load %arg5[%get3A_40] {strides = array<i32>} : memref<4112xf32, #tpu.memory_space<vmem>>, vector<16xf32>,
    %get3A_42 = vector.shape_cast %get3A_41 : vector<16xf32> to vector<16xf32>
    %swap3A_43 = arith.constant 4 : index
    %swap3A_44 = tpu.vector_load %arg7[%swap3A_43] {strides = array<i32>} : memref<144xf32, #tpu.memory_space<vmem>>, vector<16xf32>,
    %swap3A_45 = vector.shape_cast %swap3A_44 : vector<16xf32> to vector<16xf32>
    %swap3A_46 = vector.shape_cast %get3A_42 : vector<16xf32> to vector<16xf32>
    tpu.vector_store %arg7[%swap3A_43], %swap3A_46 {strides = array<i32>} : memref<144xf32, #tpu.memory_space<vmem>>, vector<16xf32>,
    %slice3A_47 = vector.extract_strided_slice %get3A_4 {offsets = [5], sizes = [1], strides = [1]} : vector<16xi32> to vector<1xi32>
    %squeeze3A_48 = vector.extract %slice3A_47[0] : i32 from vector<1xi32>
    %get3A_49 = arith.index_cast %squeeze3A_48 : i32 to index
    %get3A_50 = tpu.vector_load %arg5[%get3A_49] {strides = array<i32>} : memref<4112xf32, #tpu.memory_space<vmem>>, vector<16xf32>,
    %get3A_51 = vector.shape_cast %get3A_50 : vector<16xf32> to vector<16xf32>
    %swap3A_52 = arith.constant 5 : index
    %swap3A_53 = tpu.vector_load %arg7[%swap3A_52] {strides = array<i32>} : memref<144xf32, #tpu.memory_space<vmem>>, vector<16xf32>,
    %swap3A_54 = vector.shape_cast %swap3A_53 : vector<16xf32> to vector<16xf32>
    %swap3A_55 = vector.shape_cast %get3A_51 : vector<16xf32> to vector<16xf32>
    tpu.vector_store %arg7[%swap3A_52], %swap3A_55 {strides = array<i32>} : memref<144xf32, #tpu.memory_space<vmem>>, vector<16xf32>,
    %slice3A_56 = vector.extract_strided_slice %get3A_4 {offsets = [6], sizes = [1], strides = [1]} : vector<16xi32> to vector<1xi32>
    %squeeze3A_57 = vector.extract %slice3A_56[0] : i32 from vector<1xi32>
    %get3A_58 = arith.index_cast %squeeze3A_57 : i32 to index
    %get3A_59 = tpu.vector_load %arg5[%get3A_58] {strides = array<i32>} : memref<4112xf32, #tpu.memory_space<vmem>>, vector<16xf32>,
    %get3A_60 = vector.shape_cast %get3A_59 : vector<16xf32> to vector<16xf32>
    %swap3A_61 = arith.constant 6 : index
    %swap3A_62 = tpu.vector_load %arg7[%swap3A_61] {strides = array<i32>} : memref<144xf32, #tpu.memory_space<vmem>>, vector<16xf32>,
    %swap3A_63 = vector.shape_cast %swap3A_62 : vector<16xf32> to vector<16xf32>
    %swap3A_64 = vector.shape_cast %get3A_60 : vector<16xf32> to vector<16xf32>
    tpu.vector_store %arg7[%swap3A_61], %swap3A_64 {strides = array<i32>} : memref<144xf32, #tpu.memory_space<vmem>>, vector<16xf32>,
    %slice3A_65 = vector.extract_strided_slice %get3A_4 {offsets = [7], sizes = [1], strides = [1]} : vector<16xi32> to vector<1xi32>
    %squeeze3A_66 = vector.extract %slice3A_65[0] : i32 from vector<1xi32>
    %get3A_67 = arith.index_cast %squeeze3A_66 : i32 to index
    %get3A_68 = tpu.vector_load %arg5[%get3A_67] {strides = array<i32>} : memref<4112xf32, #tpu.memory_space<vmem>>, vector<16xf32>,
    %get3A_69 = vector.shape_cast %get3A_68 : vector<16xf32> to vector<16xf32>
    %swap3A_70 = arith.constant 7 : index
    %swap3A_71 = tpu.vector_load %arg7[%swap3A_70] {strides = array<i32>} : memref<144xf32, #tpu.memory_space<vmem>>, vector<16xf32>,
    %swap3A_72 = vector.shape_cast %swap3A_71 : vector<16xf32> to vector<16xf32>
    %swap3A_73 = vector.shape_cast %get3A_69 : vector<16xf32> to vector<16xf32>
    tpu.vector_store %arg7[%swap3A_70], %swap3A_73 {strides = array<i32>} : memref<144xf32, #tpu.memory_space<vmem>>, vector<16xf32>,
    %slice3A_74 = vector.extract_strided_slice %get3A_4 {offsets = [8], sizes = [1], strides = [1]} : vector<16xi32> to vector<1xi32>
    %squeeze3A_75 = vector.extract %slice3A_74[0] : i32 from vector<1xi32>
    %get3A_76 = arith.index_cast %squeeze3A_75 : i32 to index
    %get3A_77 = tpu.vector_load %arg5[%get3A_76] {strides = array<i32>} : memref<4112xf32, #tpu.memory_space<vmem>>, vector<16xf32>,
    %get3A_78 = vector.shape_cast %get3A_77 : vector<16xf32> to vector<16xf32>
    %swap3A_79 = arith.constant 8 : index
    %swap3A_80 = tpu.vector_load %arg7[%swap3A_79] {strides = array<i32>} : memref<144xf32, #tpu.memory_space<vmem>>, vector<16xf32>,
    %swap3A_81 = vector.shape_cast %swap3A_80 : vector<16xf32> to vector<16xf32>
    %swap3A_82 = vector.shape_cast %get3A_78 : vector<16xf32> to vector<16xf32>
    tpu.vector_store %arg7[%swap3A_79], %swap3A_82 {strides = array<i32>} : memref<144xf32, #tpu.memory_space<vmem>>, vector<16xf32>,
    %slice3A_83 = vector.extract_strided_slice %get3A_4 {offsets = [9], sizes = [1], strides = [1]} : vector<16xi32> to vector<1xi32>
    %squeeze3A_84 = vector.extract %slice3A_83[0] : i32 from vector<1xi32>
    %get3A_85 = arith.index_cast %squeeze3A_84 : i32 to index
    %get3A_86 = tpu.vector_load %arg5[%get3A_85] {strides = array<i32>} : memref<4112xf32, #tpu.memory_space<vmem>>, vector<16xf32>,
    %get3A_87 = vector.shape_cast %get3A_86 : vector<16xf32> to vector<16xf32>
    %swap3A_88 = arith.constant 9 : index
    %swap3A_89 = tpu.vector_load %arg7[%swap3A_88] {strides = array<i32>} : memref<144xf32, #tpu.memory_space<vmem>>, vector<16xf32>,
    %swap3A_90 = vector.shape_cast %swap3A_89 : vector<16xf32> to vector<16xf32>
    %swap3A_91 = vector.shape_cast %get3A_87 : vector<16xf32> to vector<16xf32>
    tpu.vector_store %arg7[%swap3A_88], %swap3A_91 {strides = array<i32>} : memref<144xf32, #tpu.memory_space<vmem>>, vector<16xf32>,
    %slice3A_92 = vector.extract_strided_slice %get3A_4 {offsets = [10], sizes = [1], strides = [1]} : vector<16xi32> to vector<1xi32>
    %squeeze3A_93 = vector.extract %slice3A_92[0] : i32 from vector<1xi32>
    %get3A_94 = arith.index_cast %squeeze3A_93 : i32 to index
    %get3A_95 = tpu.vector_load %arg5[%get3A_94] {strides = array<i32>} : memref<4112xf32, #tpu.memory_space<vmem>>, vector<16xf32>,
    %get3A_96 = vector.shape_cast %get3A_95 : vector<16xf32> to vector<16xf32>
    %swap3A_97 = arith.constant 10 : index
    %swap3A_98 = tpu.vector_load %arg7[%swap3A_97] {strides = array<i32>} : memref<144xf32, #tpu.memory_space<vmem>>, vector<16xf32>,
    %swap3A_99 = vector.shape_cast %swap3A_98 : vector<16xf32> to vector<16xf32>
    %swap3A_100 = vector.shape_cast %get3A_96 : vector<16xf32> to vector<16xf32>
    tpu.vector_store %arg7[%swap3A_97], %swap3A_100 {strides = array<i32>} : memref<144xf32, #tpu.memory_space<vmem>>, vector<16xf32>,
    %slice3A_101 = vector.extract_strided_slice %get3A_4 {offsets = [11], sizes = [1], strides = [1]} : vector<16xi32> to vector<1xi32>
    %squeeze3A_102 = vector.extract %slice3A_101[0] : i32 from vector<1xi32>
    %get3A_103 = arith.index_cast %squeeze3A_102 : i32 to index
    %get3A_104 = tpu.vector_load %arg5[%get3A_103] {strides = array<i32>} : memref<4112xf32, #tpu.memory_space<vmem>>, vector<16xf32>,
    %get3A_105 = vector.shape_cast %get3A_104 : vector<16xf32> to vector<16xf32>
    %swap3A_106 = arith.constant 11 : index
    %swap3A_107 = tpu.vector_load %arg7[%swap3A_106] {strides = array<i32>} : memref<144xf32, #tpu.memory_space<vmem>>, vector<16xf32>,
    %swap3A_108 = vector.shape_cast %swap3A_107 : vector<16xf32> to vector<16xf32>
    %swap3A_109 = vector.shape_cast %get3A_105 : vector<16xf32> to vector<16xf32>
    tpu.vector_store %arg7[%swap3A_106], %swap3A_109 {strides = array<i32>} : memref<144xf32, #tpu.memory_space<vmem>>, vector<16xf32>,
    %slice3A_110 = vector.extract_strided_slice %get3A_4 {offsets = [12], sizes = [1], strides = [1]} : vector<16xi32> to vector<1xi32>
    %squeeze3A_111 = vector.extract %slice3A_110[0] : i32 from vector<1xi32>
    %get3A_112 = arith.index_cast %squeeze3A_111 : i32 to index
    %get3A_113 = tpu.vector_load %arg5[%get3A_112] {strides = array<i32>} : memref<4112xf32, #tpu.memory_space<vmem>>, vector<16xf32>,
    %get3A_114 = vector.shape_cast %get3A_113 : vector<16xf32> to vector<16xf32>
    %swap3A_115 = arith.constant 12 : index
    %swap3A_116 = tpu.vector_load %arg7[%swap3A_115] {strides = array<i32>} : memref<144xf32, #tpu.memory_space<vmem>>, vector<16xf32>,
    %swap3A_117 = vector.shape_cast %swap3A_116 : vector<16xf32> to vector<16xf32>
    %swap3A_118 = vector.shape_cast %get3A_114 : vector<16xf32> to vector<16xf32>
    tpu.vector_store %arg7[%swap3A_115], %swap3A_118 {strides = array<i32>} : memref<144xf32, #tpu.memory_space<vmem>>, vector<16xf32>,
    %slice3A_119 = vector.extract_strided_slice %get3A_4 {offsets = [13], sizes = [1], strides = [1]} : vector<16xi32> to vector<1xi32>
    %squeeze3A_120 = vector.extract %slice3A_119[0] : i32 from vector<1xi32>
    %get3A_121 = arith.index_cast %squeeze3A_120 : i32 to index
    %get3A_122 = tpu.vector_load %arg5[%get3A_121] {strides = array<i32>} : memref<4112xf32, #tpu.memory_space<vmem>>, vector<16xf32>,
    %get3A_123 = vector.shape_cast %get3A_122 : vector<16xf32> to vector<16xf32>
    %swap3A_124 = arith.constant 13 : index
    %swap3A_125 = tpu.vector_load %arg7[%swap3A_124] {strides = array<i32>} : memref<144xf32, #tpu.memory_space<vmem>>, vector<16xf32>,
    %swap3A_126 = vector.shape_cast %swap3A_125 : vector<16xf32> to vector<16xf32>
    %swap3A_127 = vector.shape_cast %get3A_123 : vector<16xf32> to vector<16xf32>
    tpu.vector_store %arg7[%swap3A_124], %swap3A_127 {strides = array<i32>} : memref<144xf32, #tpu.memory_space<vmem>>, vector<16xf32>,
    %slice3A_128 = vector.extract_strided_slice %get3A_4 {offsets = [14], sizes = [1], strides = [1]} : vector<16xi32> to vector<1xi32>
    %squeeze3A_129 = vector.extract %slice3A_128[0] : i32 from vector<1xi32>
    %get3A_130 = arith.index_cast %squeeze3A_129 : i32 to index
    %get3A_131 = tpu.vector_load %arg5[%get3A_130] {strides = array<i32>} : memref<4112xf32, #tpu.memory_space<vmem>>, vector<16xf32>,
    %get3A_132 = vector.shape_cast %get3A_131 : vector<16xf32> to vector<16xf32>
    %swap3A_133 = arith.constant 14 : index
    %swap3A_134 = tpu.vector_load %arg7[%swap3A_133] {strides = array<i32>} : memref<144xf32, #tpu.memory_space<vmem>>, vector<16xf32>,
    %swap3A_135 = vector.shape_cast %swap3A_134 : vector<16xf32> to vector<16xf32>
    %swap3A_136 = vector.shape_cast %get3A_132 : vector<16xf32> to vector<16xf32>
    tpu.vector_store %arg7[%swap3A_133], %swap3A_136 {strides = array<i32>} : memref<144xf32, #tpu.memory_space<vmem>>, vector<16xf32>,
    %slice3A_137 = vector.extract_strided_slice %get3A_4 {offsets = [15], sizes = [1], strides = [1]} : vector<16xi32> to vector<1xi32>
    %squeeze3A_138 = vector.extract %slice3A_137[0] : i32 from vector<1xi32>
    %get3A_139 = arith.index_cast %squeeze3A_138 : i32 to index
    %get3A_140 = tpu.vector_load %arg5[%get3A_139] {strides = array<i32>} : memref<4112xf32, #tpu.memory_space<vmem>>, vector<16xf32>,
    %get3A_141 = vector.shape_cast %get3A_140 : vector<16xf32> to vector<16xf32>
    %swap3A_142 = arith.constant 15 : index
    %swap3A_143 = tpu.vector_load %arg7[%swap3A_142] {strides = array<i32>} : memref<144xf32, #tpu.memory_space<vmem>>, vector<16xf32>,
    %swap3A_144 = vector.shape_cast %swap3A_143 : vector<16xf32> to vector<16xf32>
    %swap3A_145 = vector.shape_cast %get3A_141 : vector<16xf32> to vector<16xf32>
    tpu.vector_store %arg7[%swap3A_142], %swap3A_145 {strides = array<i32>} : memref<144xf32, #tpu.memory_space<vmem>>, vector<16xf32>,
    %get3A_146 = arith.constant 16 : index
    %get3A_147 = tpu.vector_load %arg6[%get3A_146] {strides = array<i32>} : memref<128xi32, #tpu.memory_space<vmem>>, vector<16xi32>,
    %get3A_148 = vector.shape_cast %get3A_147 : vector<16xi32> to vector<16xi32>
    %slice3A_149 = vector.extract_strided_slice %get3A_148 {offsets = [0], sizes = [1], strides = [1]} : vector<16xi32> to vector<1xi32>
    %squeeze3A_150 = vector.extract %slice3A_149[0] : i32 from vector<1xi32>
    %get3A_151 = arith.index_cast %squeeze3A_150 : i32 to index
    %get3A_152 = tpu.vector_load %arg5[%get3A_151] {strides = array<i32>} : memref<4112xf32, #tpu.memory_space<vmem>>, vector<16xf32>,
    %get3A_153 = vector.shape_cast %get3A_152 : vector<16xf32> to vector<16xf32>
    %swap3A_154 = arith.constant 16 : index
    %swap3A_155 = tpu.vector_load %arg7[%swap3A_154] {strides = array<i32>} : memref<144xf32, #tpu.memory_space<vmem>>, vector<16xf32>,
    %swap3A_156 = vector.shape_cast %swap3A_155 : vector<16xf32> to vector<16xf32>
    %swap3A_157 = vector.shape_cast %get3A_153 : vector<16xf32> to vector<16xf32>
    tpu.vector_store %arg7[%swap3A_154], %swap3A_157 {strides = array<i32>} : memref<144xf32, #tpu.memory_space<vmem>>, vector<16xf32>,
    %slice3A_158 = vector.extract_strided_slice %get3A_148 {offsets = [1], sizes = [1], strides = [1]} : vector<16xi32> to vector<1xi32>
    %squeeze3A_159 = vector.extract %slice3A_158[0] : i32 from vector<1xi32>
    %get3A_160 = arith.index_cast %squeeze3A_159 : i32 to index
    %get3A_161 = tpu.vector_load %arg5[%get3A_160] {strides = array<i32>} : memref<4112xf32, #tpu.memory_space<vmem>>, vector<16xf32>,
    %get3A_162 = vector.shape_cast %get3A_161 : vector<16xf32> to vector<16xf32>
    %swap3A_163 = arith.constant 17 : index
    %swap3A_164 = tpu.vector_load %arg7[%swap3A_163] {strides = array<i32>} : memref<144xf32, #tpu.memory_space<vmem>>, vector<16xf32>,
    %swap3A_165 = vector.shape_cast %swap3A_164 : vector<16xf32> to vector<16xf32>
    %swap3A_166 = vector.shape_cast %get3A_162 : vector<16xf32> to vector<16xf32>
    tpu.vector_store %arg7[%swap3A_163], %swap3A_166 {strides = array<i32>} : memref<144xf32, #tpu.memory_space<vmem>>, vector<16xf32>,
    %slice3A_167 = vector.extract_strided_slice %get3A_148 {offsets = [2], sizes = [1], strides = [1]} : vector<16xi32> to vector<1xi32>
    %squeeze3A_168 = vector.extract %slice3A_167[0] : i32 from vector<1xi32>
    %get3A_169 = arith.index_cast %squeeze3A_168 : i32 to index
    %get3A_170 = tpu.vector_load %arg5[%get3A_169] {strides = array<i32>} : memref<4112xf32, #tpu.memory_space<vmem>>, vector<16xf32>,
    %get3A_171 = vector.shape_cast %get3A_170 : vector<16xf32> to vector<16xf32>
    %swap3A_172 = arith.constant 18 : index
    %swap3A_173 = tpu.vector_load %arg7[%swap3A_172] {strides = array<i32>} : memref<144xf32, #tpu.memory_space<vmem>>, vector<16xf32>,
    %swap3A_174 = vector.shape_cast %swap3A_173 : vector<16xf32> to vector<16xf32>
    %swap3A_175 = vector.shape_cast %get3A_171 : vector<16xf32> to vector<16xf32>
    tpu.vector_store %arg7[%swap3A_172], %swap3A_175 {strides = array<i32>} : memref<144xf32, #tpu.memory_space<vmem>>, vector<16xf32>,
    %slice3A_176 = vector.extract_strided_slice %get3A_148 {offsets = [3], sizes = [1], strides = [1]} : vector<16xi32> to vector<1xi32>
    %squeeze3A_177 = vector.extract %slice3A_176[0] : i32 from vector<1xi32>
    %get3A_178 = arith.index_cast %squeeze3A_177 : i32 to index
    %get3A_179 = tpu.vector_load %arg5[%get3A_178] {strides = array<i32>} : memref<4112xf32, #tpu.memory_space<vmem>>, vector<16xf32>,
    %get3A_180 = vector.shape_cast %get3A_179 : vector<16xf32> to vector<16xf32>
    %swap3A_181 = arith.constant 19 : index
    %swap3A_182 = tpu.vector_load %arg7[%swap3A_181] {strides = array<i32>} : memref<144xf32, #tpu.memory_space<vmem>>, vector<16xf32>,
    %swap3A_183 = vector.shape_cast %swap3A_182 : vector<16xf32> to vector<16xf32>
    %swap3A_184 = vector.shape_cast %get3A_180 : vector<16xf32> to vector<16xf32>
    tpu.vector_store %arg7[%swap3A_181], %swap3A_184 {strides = array<i32>} : memref<144xf32, #tpu.memory_space<vmem>>, vector<16xf32>,
    %slice3A_185 = vector.extract_strided_slice %get3A_148 {offsets = [4], sizes = [1], strides = [1]} : vector<16xi32> to vector<1xi32>
    %squeeze3A_186 = vector.extract %slice3A_185[0] : i32 from vector<1xi32>
    %get3A_187 = arith.index_cast %squeeze3A_186 : i32 to index
    %get3A_188 = tpu.vector_load %arg5[%get3A_187] {strides = array<i32>} : memref<4112xf32, #tpu.memory_space<vmem>>, vector<16xf32>,
    %get3A_189 = vector.shape_cast %get3A_188 : vector<16xf32> to vector<16xf32>
    %swap3A_190 = arith.constant 20 : index
    %swap3A_191 = tpu.vector_load %arg7[%swap3A_190] {strides = array<i32>} : memref<144xf32, #tpu.memory_space<vmem>>, vector<16xf32>,
    %swap3A_192 = vector.shape_cast %swap3A_191 : vector<16xf32> to vector<16xf32>
    %swap3A_193 = vector.shape_cast %get3A_189 : vector<16xf32> to vector<16xf32>
    tpu.vector_store %arg7[%swap3A_190], %swap3A_193 {strides = array<i32>} : memref<144xf32, #tpu.memory_space<vmem>>, vector<16xf32>,
    %slice3A_194 = vector.extract_strided_slice %get3A_148 {offsets = [5], sizes = [1], strides = [1]} : vector<16xi32> to vector<1xi32>
    %squeeze3A_195 = vector.extract %slice3A_194[0] : i32 from vector<1xi32>
    %get3A_196 = arith.index_cast %squeeze3A_195 : i32 to index
    %get3A_197 = tpu.vector_load %arg5[%get3A_196] {strides = array<i32>} : memref<4112xf32, #tpu.memory_space<vmem>>, vector<16xf32>,
    %get3A_198 = vector.shape_cast %get3A_197 : vector<16xf32> to vector<16xf32>
    %swap3A_199 = arith.constant 21 : index
    %swap3A_200 = tpu.vector_load %arg7[%swap3A_199] {strides = array<i32>} : memref<144xf32, #tpu.memory_space<vmem>>, vector<16xf32>,
    %swap3A_201 = vector.shape_cast %swap3A_200 : vector<16xf32> to vector<16xf32>
    %swap3A_202 = vector.shape_cast %get3A_198 : vector<16xf32> to vector<16xf32>
    tpu.vector_store %arg7[%swap3A_199], %swap3A_202 {strides = array<i32>} : memref<144xf32, #tpu.memory_space<vmem>>, vector<16xf32>,
    %slice3A_203 = vector.extract_strided_slice %get3A_148 {offsets = [6], sizes = [1], strides = [1]} : vector<16xi32> to vector<1xi32>
    %squeeze3A_204 = vector.extract %slice3A_203[0] : i32 from vector<1xi32>
    %get3A_205 = arith.index_cast %squeeze3A_204 : i32 to index
    %get3A_206 = tpu.vector_load %arg5[%get3A_205] {strides = array<i32>} : memref<4112xf32, #tpu.memory_space<vmem>>, vector<16xf32>,
    %get3A_207 = vector.shape_cast %get3A_206 : vector<16xf32> to vector<16xf32>
    %swap3A_208 = arith.constant 22 : index
    %swap3A_209 = tpu.vector_load %arg7[%swap3A_208] {strides = array<i32>} : memref<144xf32, #tpu.memory_space<vmem>>, vector<16xf32>,
    %swap3A_210 = vector.shape_cast %swap3A_209 : vector<16xf32> to vector<16xf32>
    %swap3A_211 = vector.shape_cast %get3A_207 : vector<16xf32> to vector<16xf32>
    tpu.vector_store %arg7[%swap3A_208], %swap3A_211 {strides = array<i32>} : memref<144xf32, #tpu.memory_space<vmem>>, vector<16xf32>,
    %slice3A_212 = vector.extract_strided_slice %get3A_148 {offsets = [7], sizes = [1], strides = [1]} : vector<16xi32> to vector<1xi32>
    %squeeze3A_213 = vector.extract %slice3A_212[0] : i32 from vector<1xi32>
    %get3A_214 = arith.index_cast %squeeze3A_213 : i32 to index
    %get3A_215 = tpu.vector_load %arg5[%get3A_214] {strides = array<i32>} : memref<4112xf32, #tpu.memory_space<vmem>>, vector<16xf32>,
    %get3A_216 = vector.shape_cast %get3A_215 : vector<16xf32> to vector<16xf32>
    %swap3A_217 = arith.constant 23 : index
    %swap3A_218 = tpu.vector_load %arg7[%swap3A_217] {strides = array<i32>} : memref<144xf32, #tpu.memory_space<vmem>>, vector<16xf32>,
    %swap3A_219 = vector.shape_cast %swap3A_218 : vector<16xf32> to vector<16xf32>
    %swap3A_220 = vector.shape_cast %get3A_216 : vector<16xf32> to vector<16xf32>
    tpu.vector_store %arg7[%swap3A_217], %swap3A_220 {strides = array<i32>} : memref<144xf32, #tpu.memory_space<vmem>>, vector<16xf32>,
    %slice3A_221 = vector.extract_strided_slice %get3A_148 {offsets = [8], sizes = [1], strides = [1]} : vector<16xi32> to vector<1xi32>
    %squeeze3A_222 = vector.extract %slice3A_221[0] : i32 from vector<1xi32>
    %get3A_223 = arith.index_cast %squeeze3A_222 : i32 to index
    %get3A_224 = tpu.vector_load %arg5[%get3A_223] {strides = array<i32>} : memref<4112xf32, #tpu.memory_space<vmem>>, vector<16xf32>,
    %get3A_225 = vector.shape_cast %get3A_224 : vector<16xf32> to vector<16xf32>
    %swap3A_226 = arith.constant 24 : index
    %swap3A_227 = tpu.vector_load %arg7[%swap3A_226] {strides = array<i32>} : memref<144xf32, #tpu.memory_space<vmem>>, vector<16xf32>,
    %swap3A_228 = vector.shape_cast %swap3A_227 : vector<16xf32> to vector<16xf32>
    %swap3A_229 = vector.shape_cast %get3A_225 : vector<16xf32> to vector<16xf32>
    tpu.vector_store %arg7[%swap3A_226], %swap3A_229 {strides = array<i32>} : memref<144xf32, #tpu.memory_space<vmem>>, vector<16xf32>,
    %slice3A_230 = vector.extract_strided_slice %get3A_148 {offsets = [9], sizes = [1], strides = [1]} : vector<16xi32> to vector<1xi32>
    %squeeze3A_231 = vector.extract %slice3A_230[0] : i32 from vector<1xi32>
    %get3A_232 = arith.index_cast %squeeze3A_231 : i32 to index
    %get3A_233 = tpu.vector_load %arg5[%get3A_232] {strides = array<i32>} : memref<4112xf32, #tpu.memory_space<vmem>>, vector<16xf32>,
    %get3A_234 = vector.shape_cast %get3A_233 : vector<16xf32> to vector<16xf32>
    %swap3A_235 = arith.constant 25 : index
    %swap3A_236 = tpu.vector_load %arg7[%swap3A_235] {strides = array<i32>} : memref<144xf32, #tpu.memory_space<vmem>>, vector<16xf32>,
    %swap3A_237 = vector.shape_cast %swap3A_236 : vector<16xf32> to vector<16xf32>
    %swap3A_238 = vector.shape_cast %get3A_234 : vector<16xf32> to vector<16xf32>
    tpu.vector_store %arg7[%swap3A_235], %swap3A_238 {strides = array<i32>} : memref<144xf32, #tpu.memory_space<vmem>>, vector<16xf32>,
    %slice3A_239 = vector.extract_strided_slice %get3A_148 {offsets = [10], sizes = [1], strides = [1]} : vector<16xi32> to vector<1xi32>
    %squeeze3A_240 = vector.extract %slice3A_239[0] : i32 from vector<1xi32>
    %get3A_241 = arith.index_cast %squeeze3A_240 : i32 to index
    %get3A_242 = tpu.vector_load %arg5[%get3A_241] {strides = array<i32>} : memref<4112xf32, #tpu.memory_space<vmem>>, vector<16xf32>,
    %get3A_243 = vector.shape_cast %get3A_242 : vector<16xf32> to vector<16xf32>
    %swap3A_244 = arith.constant 26 : index
    %swap3A_245 = tpu.vector_load %arg7[%swap3A_244] {strides = array<i32>} : memref<144xf32, #tpu.memory_space<vmem>>, vector<16xf32>,
    %swap3A_246 = vector.shape_cast %swap3A_245 : vector<16xf32> to vector<16xf32>
    %swap3A_247 = vector.shape_cast %get3A_243 : vector<16xf32> to vector<16xf32>
    tpu.vector_store %arg7[%swap3A_244], %swap3A_247 {strides = array<i32>} : memref<144xf32, #tpu.memory_space<vmem>>, vector<16xf32>,
    %slice3A_248 = vector.extract_strided_slice %get3A_148 {offsets = [11], sizes = [1], strides = [1]} : vector<16xi32> to vector<1xi32>
    %squeeze3A_249 = vector.extract %slice3A_248[0] : i32 from vector<1xi32>
    %get3A_250 = arith.index_cast %squeeze3A_249 : i32 to index
    %get3A_251 = tpu.vector_load %arg5[%get3A_250] {strides = array<i32>} : memref<4112xf32, #tpu.memory_space<vmem>>, vector<16xf32>,
    %get3A_252 = vector.shape_cast %get3A_251 : vector<16xf32> to vector<16xf32>
    %swap3A_253 = arith.constant 27 : index
    %swap3A_254 = tpu.vector_load %arg7[%swap3A_253] {strides = array<i32>} : memref<144xf32, #tpu.memory_space<vmem>>, vector<16xf32>,
    %swap3A_255 = vector.shape_cast %swap3A_254 : vector<16xf32> to vector<16xf32>
    %swap3A_256 = vector.shape_cast %get3A_252 : vector<16xf32> to vector<16xf32>
    tpu.vector_store %arg7[%swap3A_253], %swap3A_256 {strides = array<i32>} : memref<144xf32, #tpu.memory_space<vmem>>, vector<16xf32>,
    %slice3A_257 = vector.extract_strided_slice %get3A_148 {offsets = [12], sizes = [1], strides = [1]} : vector<16xi32> to vector<1xi32>
    %squeeze3A_258 = vector.extract %slice3A_257[0] : i32 from vector<1xi32>
    %get3A_259 = arith.index_cast %squeeze3A_258 : i32 to index
    %get3A_260 = tpu.vector_load %arg5[%get3A_259] {strides = array<i32>} : memref<4112xf32, #tpu.memory_space<vmem>>, vector<16xf32>,
    %get3A_261 = vector.shape_cast %get3A_260 : vector<16xf32> to vector<16xf32>
    %swap3A_262 = arith.constant 28 : index
    %swap3A_263 = tpu.vector_load %arg7[%swap3A_262] {strides = array<i32>} : memref<144xf32, #tpu.memory_space<vmem>>, vector<16xf32>,
    %swap3A_264 = vector.shape_cast %swap3A_263 : vector<16xf32> to vector<16xf32>
    %swap3A_265 = vector.shape_cast %get3A_261 : vector<16xf32> to vector<16xf32>
    tpu.vector_store %arg7[%swap3A_262], %swap3A_265 {strides = array<i32>} : memref<144xf32, #tpu.memory_space<vmem>>, vector<16xf32>,
    %slice3A_266 = vector.extract_strided_slice %get3A_148 {offsets = [13], sizes = [1], strides = [1]} : vector<16xi32> to vector<1xi32>
    %squeeze3A_267 = vector.extract %slice3A_266[0] : i32 from vector<1xi32>
    %get3A_268 = arith.index_cast %squeeze3A_267 : i32 to index
    %get3A_269 = tpu.vector_load %arg5[%get3A_268] {strides = array<i32>} : memref<4112xf32, #tpu.memory_space<vmem>>, vector<16xf32>,
    %get3A_270 = vector.shape_cast %get3A_269 : vector<16xf32> to vector<16xf32>
    %swap3A_271 = arith.constant 29 : index
    %swap3A_272 = tpu.vector_load %arg7[%swap3A_271] {strides = array<i32>} : memref<144xf32, #tpu.memory_space<vmem>>, vector<16xf32>,
    %swap3A_273 = vector.shape_cast %swap3A_272 : vector<16xf32> to vector<16xf32>
    %swap3A_274 = vector.shape_cast %get3A_270 : vector<16xf32> to vector<16xf32>
    tpu.vector_store %arg7[%swap3A_271], %swap3A_274 {strides = array<i32>} : memref<144xf32, #tpu.memory_space<vmem>>, vector<16xf32>,
    %slice3A_275 = vector.extract_strided_slice %get3A_148 {offsets = [14], sizes = [1], strides = [1]} : vector<16xi32> to vector<1xi32>
    %squeeze3A_276 = vector.extract %slice3A_275[0] : i32 from vector<1xi32>
    %get3A_277 = arith.index_cast %squeeze3A_276 : i32 to index
    %get3A_278 = tpu.vector_load %arg5[%get3A_277] {strides = array<i32>} : memref<4112xf32, #tpu.memory_space<vmem>>, vector<16xf32>,
    %get3A_279 = vector.shape_cast %get3A_278 : vector<16xf32> to vector<16xf32>
    %swap3A_280 = arith.constant 30 : index
    %swap3A_281 = tpu.vector_load %arg7[%swap3A_280] {strides = array<i32>} : memref<144xf32, #tpu.memory_space<vmem>>, vector<16xf32>,
    %swap3A_282 = vector.shape_cast %swap3A_281 : vector<16xf32> to vector<16xf32>
    %swap3A_283 = vector.shape_cast %get3A_279 : vector<16xf32> to vector<16xf32>
    tpu.vector_store %arg7[%swap3A_280], %swap3A_283 {strides = array<i32>} : memref<144xf32, #tpu.memory_space<vmem>>, vector<16xf32>,
    %slice3A_284 = vector.extract_strided_slice %get3A_148 {offsets = [15], sizes = [1], strides = [1]} : vector<16xi32> to vector<1xi32>
    %squeeze3A_285 = vector.extract %slice3A_284[0] : i32 from vector<1xi32>
    %get3A_286 = arith.index_cast %squeeze3A_285 : i32 to index
    %get3A_287 = tpu.vector_load %arg5[%get3A_286] {strides = array<i32>} : memref<4112xf32, #tpu.memory_space<vmem>>, vector<16xf32>,
    %get3A_288 = vector.shape_cast %get3A_287 : vector<16xf32> to vector<16xf32>
    %swap3A_289 = arith.constant 31 : index
    %swap3A_290 = tpu.vector_load %arg7[%swap3A_289] {strides = array<i32>} : memref<144xf32, #tpu.memory_space<vmem>>, vector<16xf32>,
    %swap3A_291 = vector.shape_cast %swap3A_290 : vector<16xf32> to vector<16xf32>
    %swap3A_292 = vector.shape_cast %get3A_288 : vector<16xf32> to vector<16xf32>
    tpu.vector_store %arg7[%swap3A_289], %swap3A_292 {strides = array<i32>} : memref<144xf32, #tpu.memory_space<vmem>>, vector<16xf32>,
    %get3A_293 = arith.constant 32 : index
    %get3A_294 = tpu.vector_load %arg6[%get3A_293] {strides = array<i32>} : memref<128xi32, #tpu.memory_space<vmem>>, vector<16xi32>,
    %get3A_295 = vector.shape_cast %get3A_294 : vector<16xi32> to vector<16xi32>
    %slice3A_296 = vector.extract_strided_slice %get3A_295 {offsets = [0], sizes = [1], strides = [1]} : vector<16xi32> to vector<1xi32>
    %squeeze3A_297 = vector.extract %slice3A_296[0] : i32 from vector<1xi32>
    %get3A_298 = arith.index_cast %squeeze3A_297 : i32 to index
    %get3A_299 = tpu.vector_load %arg5[%get3A_298] {strides = array<i32>} : memref<4112xf32, #tpu.memory_space<vmem>>, vector<16xf32>,
    %get3A_300 = vector.shape_cast %get3A_299 : vector<16xf32> to vector<16xf32>
    %swap3A_301 = arith.constant 32 : index
    %swap3A_302 = tpu.vector_load %arg7[%swap3A_301] {strides = array<i32>} : memref<144xf32, #tpu.memory_space<vmem>>, vector<16xf32>,
    %swap3A_303 = vector.shape_cast %swap3A_302 : vector<16xf32> to vector<16xf32>
    %swap3A_304 = vector.shape_cast %get3A_300 : vector<16xf32> to vector<16xf32>
    tpu.vector_store %arg7[%swap3A_301], %swap3A_304 {strides = array<i32>} : memref<144xf32, #tpu.memory_space<vmem>>, vector<16xf32>,
    %slice3A_305 = vector.extract_strided_slice %get3A_295 {offsets = [1], sizes = [1], strides = [1]} : vector<16xi32> to vector<1xi32>
    %squeeze3A_306 = vector.extract %slice3A_305[0] : i32 from vector<1xi32>
    %get3A_307 = arith.index_cast %squeeze3A_306 : i32 to index
    %get3A_308 = tpu.vector_load %arg5[%get3A_307] {strides = array<i32>} : memref<4112xf32, #tpu.memory_space<vmem>>, vector<16xf32>,
    %get3A_309 = vector.shape_cast %get3A_308 : vector<16xf32> to vector<16xf32>
    %swap3A_310 = arith.constant 33 : index
    %swap3A_311 = tpu.vector_load %arg7[%swap3A_310] {strides = array<i32>} : memref<144xf32, #tpu.memory_space<vmem>>, vector<16xf32>,
    %swap3A_312 = vector.shape_cast %swap3A_311 : vector<16xf32> to vector<16xf32>
    %swap3A_313 = vector.shape_cast %get3A_309 : vector<16xf32> to vector<16xf32>
    tpu.vector_store %arg7[%swap3A_310], %swap3A_313 {strides = array<i32>} : memref<144xf32, #tpu.memory_space<vmem>>, vector<16xf32>,
    %slice3A_314 = vector.extract_strided_slice %get3A_295 {offsets = [2], sizes = [1], strides = [1]} : vector<16xi32> to vector<1xi32>
    %squeeze3A_315 = vector.extract %slice3A_314[0] : i32 from vector<1xi32>
    %get3A_316 = arith.index_cast %squeeze3A_315 : i32 to index
    %get3A_317 = tpu.vector_load %arg5[%get3A_316] {strides = array<i32>} : memref<4112xf32, #tpu.memory_space<vmem>>, vector<16xf32>,
    %get3A_318 = vector.shape_cast %get3A_317 : vector<16xf32> to vector<16xf32>
    %swap3A_319 = arith.constant 34 : index
    %swap3A_320 = tpu.vector_load %arg7[%swap3A_319] {strides = array<i32>} : memref<144xf32, #tpu.memory_space<vmem>>, vector<16xf32>,
    %swap3A_321 = vector.shape_cast %swap3A_320 : vector<16xf32> to vector<16xf32>
    %swap3A_322 = vector.shape_cast %get3A_318 : vector<16xf32> to vector<16xf32>
    tpu.vector_store %arg7[%swap3A_319], %swap3A_322 {strides = array<i32>} : memref<144xf32, #tpu.memory_space<vmem>>, vector<16xf32>,
    %slice3A_323 = vector.extract_strided_slice %get3A_295 {offsets = [3], sizes = [1], strides = [1]} : vector<16xi32> to vector<1xi32>
    %squeeze3A_324 = vector.extract %slice3A_323[0] : i32 from vector<1xi32>
    %get3A_325 = arith.index_cast %squeeze3A_324 : i32 to index
    %get3A_326 = tpu.vector_load %arg5[%get3A_325] {strides = array<i32>} : memref<4112xf32, #tpu.memory_space<vmem>>, vector<16xf32>,
    %get3A_327 = vector.shape_cast %get3A_326 : vector<16xf32> to vector<16xf32>
    %swap3A_328 = arith.constant 35 : index
    %swap3A_329 = tpu.vector_load %arg7[%swap3A_328] {strides = array<i32>} : memref<144xf32, #tpu.memory_space<vmem>>, vector<16xf32>,
    %swap3A_330 = vector.shape_cast %swap3A_329 : vector<16xf32> to vector<16xf32>
    %swap3A_331 = vector.shape_cast %get3A_327 : vector<16xf32> to vector<16xf32>
    tpu.vector_store %arg7[%swap3A_328], %swap3A_331 {strides = array<i32>} : memref<144xf32, #tpu.memory_space<vmem>>, vector<16xf32>,
    %slice3A_332 = vector.extract_strided_slice %get3A_295 {offsets = [4], sizes = [1], strides = [1]} : vector<16xi32> to vector<1xi32>
    %squeeze3A_333 = vector.extract %slice3A_332[0] : i32 from vector<1xi32>
    %get3A_334 = arith.index_cast %squeeze3A_333 : i32 to index
    %get3A_335 = tpu.vector_load %arg5[%get3A_334] {strides = array<i32>} : memref<4112xf32, #tpu.memory_space<vmem>>, vector<16xf32>,
    %get3A_336 = vector.shape_cast %get3A_335 : vector<16xf32> to vector<16xf32>
    %swap3A_337 = arith.constant 36 : index
    %swap3A_338 = tpu.vector_load %arg7[%swap3A_337] {strides = array<i32>} : memref<144xf32, #tpu.memory_space<vmem>>, vector<16xf32>,
    %swap3A_339 = vector.shape_cast %swap3A_338 : vector<16xf32> to vector<16xf32>
    %swap3A_340 = vector.shape_cast %get3A_336 : vector<16xf32> to vector<16xf32>
    tpu.vector_store %arg7[%swap3A_337], %swap3A_340 {strides = array<i32>} : memref<144xf32, #tpu.memory_space<vmem>>, vector<16xf32>,
    %slice3A_341 = vector.extract_strided_slice %get3A_295 {offsets = [5], sizes = [1], strides = [1]} : vector<16xi32> to vector<1xi32>
    %squeeze3A_342 = vector.extract %slice3A_341[0] : i32 from vector<1xi32>
    %get3A_343 = arith.index_cast %squeeze3A_342 : i32 to index
    %get3A_344 = tpu.vector_load %arg5[%get3A_343] {strides = array<i32>} : memref<4112xf32, #tpu.memory_space<vmem>>, vector<16xf32>,
    %get3A_345 = vector.shape_cast %get3A_344 : vector<16xf32> to vector<16xf32>
    %swap3A_346 = arith.constant 37 : index
    %swap3A_347 = tpu.vector_load %arg7[%swap3A_346] {strides = array<i32>} : memref<144xf32, #tpu.memory_space<vmem>>, vector<16xf32>,
    %swap3A_348 = vector.shape_cast %swap3A_347 : vector<16xf32> to vector<16xf32>
    %swap3A_349 = vector.shape_cast %get3A_345 : vector<16xf32> to vector<16xf32>
    tpu.vector_store %arg7[%swap3A_346], %swap3A_349 {strides = array<i32>} : memref<144xf32, #tpu.memory_space<vmem>>, vector<16xf32>,
    %slice3A_350 = vector.extract_strided_slice %get3A_295 {offsets = [6], sizes = [1], strides = [1]} : vector<16xi32> to vector<1xi32>
    %squeeze3A_351 = vector.extract %slice3A_350[0] : i32 from vector<1xi32>
    %get3A_352 = arith.index_cast %squeeze3A_351 : i32 to index
    %get3A_353 = tpu.vector_load %arg5[%get3A_352] {strides = array<i32>} : memref<4112xf32, #tpu.memory_space<vmem>>, vector<16xf32>,
    %get3A_354 = vector.shape_cast %get3A_353 : vector<16xf32> to vector<16xf32>
    %swap3A_355 = arith.constant 38 : index
    %swap3A_356 = tpu.vector_load %arg7[%swap3A_355] {strides = array<i32>} : memref<144xf32, #tpu.memory_space<vmem>>, vector<16xf32>,
    %swap3A_357 = vector.shape_cast %swap3A_356 : vector<16xf32> to vector<16xf32>
    %swap3A_358 = vector.shape_cast %get3A_354 : vector<16xf32> to vector<16xf32>
    tpu.vector_store %arg7[%swap3A_355], %swap3A_358 {strides = array<i32>} : memref<144xf32, #tpu.memory_space<vmem>>, vector<16xf32>,
    %slice3A_359 = vector.extract_strided_slice %get3A_295 {offsets = [7], sizes = [1], strides = [1]} : vector<16xi32> to vector<1xi32>
    %squeeze3A_360 = vector.extract %slice3A_359[0] : i32 from vector<1xi32>
    %get3A_361 = arith.index_cast %squeeze3A_360 : i32 to index
    %get3A_362 = tpu.vector_load %arg5[%get3A_361] {strides = array<i32>} : memref<4112xf32, #tpu.memory_space<vmem>>, vector<16xf32>,
    %get3A_363 = vector.shape_cast %get3A_362 : vector<16xf32> to vector<16xf32>
    %swap3A_364 = arith.constant 39 : index
    %swap3A_365 = tpu.vector_load %arg7[%swap3A_364] {strides = array<i32>} : memref<144xf32, #tpu.memory_space<vmem>>, vector<16xf32>,
    %swap3A_366 = vector.shape_cast %swap3A_365 : vector<16xf32> to vector<16xf32>
    %swap3A_367 = vector.shape_cast %get3A_363 : vector<16xf32> to vector<16xf32>
    tpu.vector_store %arg7[%swap3A_364], %swap3A_367 {strides = array<i32>} : memref<144xf32, #tpu.memory_space<vmem>>, vector<16xf32>,
    %slice3A_368 = vector.extract_strided_slice %get3A_295 {offsets = [8], sizes = [1], strides = [1]} : vector<16xi32> to vector<1xi32>
    %squeeze3A_369 = vector.extract %slice3A_368[0] : i32 from vector<1xi32>
    %get3A_370 = arith.index_cast %squeeze3A_369 : i32 to index
    %get3A_371 = tpu.vector_load %arg5[%get3A_370] {strides = array<i32>} : memref<4112xf32, #tpu.memory_space<vmem>>, vector<16xf32>,
    %get3A_372 = vector.shape_cast %get3A_371 : vector<16xf32> to vector<16xf32>
    %swap3A_373 = arith.constant 40 : index
    %swap3A_374 = tpu.vector_load %arg7[%swap3A_373] {strides = array<i32>} : memref<144xf32, #tpu.memory_space<vmem>>, vector<16xf32>,
    %swap3A_375 = vector.shape_cast %swap3A_374 : vector<16xf32> to vector<16xf32>
    %swap3A_376 = vector.shape_cast %get3A_372 : vector<16xf32> to vector<16xf32>
    tpu.vector_store %arg7[%swap3A_373], %swap3A_376 {strides = array<i32>} : memref<144xf32, #tpu.memory_space<vmem>>, vector<16xf32>,
    %slice3A_377 = vector.extract_strided_slice %get3A_295 {offsets = [9], sizes = [1], strides = [1]} : vector<16xi32> to vector<1xi32>
    %squeeze3A_378 = vector.extract %slice3A_377[0] : i32 from vector<1xi32>
    %get3A_379 = arith.index_cast %squeeze3A_378 : i32 to index
    %get3A_380 = tpu.vector_load %arg5[%get3A_379] {strides = array<i32>} : memref<4112xf32, #tpu.memory_space<vmem>>, vector<16xf32>,
    %get3A_381 = vector.shape_cast %get3A_380 : vector<16xf32> to vector<16xf32>
    %swap3A_382 = arith.constant 41 : index
    %swap3A_383 = tpu.vector_load %arg7[%swap3A_382] {strides = array<i32>} : memref<144xf32, #tpu.memory_space<vmem>>, vector<16xf32>,
    %swap3A_384 = vector.shape_cast %swap3A_383 : vector<16xf32> to vector<16xf32>
    %swap3A_385 = vector.shape_cast %get3A_381 : vector<16xf32> to vector<16xf32>
    tpu.vector_store %arg7[%swap3A_382], %swap3A_385 {strides = array<i32>} : memref<144xf32, #tpu.memory_space<vmem>>, vector<16xf32>,
    %slice3A_386 = vector.extract_strided_slice %get3A_295 {offsets = [10], sizes = [1], strides = [1]} : vector<16xi32> to vector<1xi32>
    %squeeze3A_387 = vector.extract %slice3A_386[0] : i32 from vector<1xi32>
    %get3A_388 = arith.index_cast %squeeze3A_387 : i32 to index
    %get3A_389 = tpu.vector_load %arg5[%get3A_388] {strides = array<i32>} : memref<4112xf32, #tpu.memory_space<vmem>>, vector<16xf32>,
    %get3A_390 = vector.shape_cast %get3A_389 : vector<16xf32> to vector<16xf32>
    %swap3A_391 = arith.constant 42 : index
    %swap3A_392 = tpu.vector_load %arg7[%swap3A_391] {strides = array<i32>} : memref<144xf32, #tpu.memory_space<vmem>>, vector<16xf32>,
    %swap3A_393 = vector.shape_cast %swap3A_392 : vector<16xf32> to vector<16xf32>
    %swap3A_394 = vector.shape_cast %get3A_390 : vector<16xf32> to vector<16xf32>
    tpu.vector_store %arg7[%swap3A_391], %swap3A_394 {strides = array<i32>} : memref<144xf32, #tpu.memory_space<vmem>>, vector<16xf32>,
    %slice3A_395 = vector.extract_strided_slice %get3A_295 {offsets = [11], sizes = [1], strides = [1]} : vector<16xi32> to vector<1xi32>
    %squeeze3A_396 = vector.extract %slice3A_395[0] : i32 from vector<1xi32>
    %get3A_397 = arith.index_cast %squeeze3A_396 : i32 to index
    %get3A_398 = tpu.vector_load %arg5[%get3A_397] {strides = array<i32>} : memref<4112xf32, #tpu.memory_space<vmem>>, vector<16xf32>,
    %get3A_399 = vector.shape_cast %get3A_398 : vector<16xf32> to vector<16xf32>
    %swap3A_400 = arith.constant 43 : index
    %swap3A_401 = tpu.vector_load %arg7[%swap3A_400] {strides = array<i32>} : memref<144xf32, #tpu.memory_space<vmem>>, vector<16xf32>,
    %swap3A_402 = vector.shape_cast %swap3A_401 : vector<16xf32> to vector<16xf32>
    %swap3A_403 = vector.shape_cast %get3A_399 : vector<16xf32> to vector<16xf32>
    tpu.vector_store %arg7[%swap3A_400], %swap3A_403 {strides = array<i32>} : memref<144xf32, #tpu.memory_space<vmem>>, vector<16xf32>,
    %slice3A_404 = vector.extract_strided_slice %get3A_295 {offsets = [12], sizes = [1], strides = [1]} : vector<16xi32> to vector<1xi32>
    %squeeze3A_405 = vector.extract %slice3A_404[0] : i32 from vector<1xi32>
    %get3A_406 = arith.index_cast %squeeze3A_405 : i32 to index
    %get3A_407 = tpu.vector_load %arg5[%get3A_406] {strides = array<i32>} : memref<4112xf32, #tpu.memory_space<vmem>>, vector<16xf32>,
    %get3A_408 = vector.shape_cast %get3A_407 : vector<16xf32> to vector<16xf32>
    %swap3A_409 = arith.constant 44 : index
    %swap3A_410 = tpu.vector_load %arg7[%swap3A_409] {strides = array<i32>} : memref<144xf32, #tpu.memory_space<vmem>>, vector<16xf32>,
    %swap3A_411 = vector.shape_cast %swap3A_410 : vector<16xf32> to vector<16xf32>
    %swap3A_412 = vector.shape_cast %get3A_408 : vector<16xf32> to vector<16xf32>
    tpu.vector_store %arg7[%swap3A_409], %swap3A_412 {strides = array<i32>} : memref<144xf32, #tpu.memory_space<vmem>>, vector<16xf32>,
    %slice3A_413 = vector.extract_strided_slice %get3A_295 {offsets = [13], sizes = [1], strides = [1]} : vector<16xi32> to vector<1xi32>
    %squeeze3A_414 = vector.extract %slice3A_413[0] : i32 from vector<1xi32>
    %get3A_415 = arith.index_cast %squeeze3A_414 : i32 to index
    %get3A_416 = tpu.vector_load %arg5[%get3A_415] {strides = array<i32>} : memref<4112xf32, #tpu.memory_space<vmem>>, vector<16xf32>,
    %get3A_417 = vector.shape_cast %get3A_416 : vector<16xf32> to vector<16xf32>
    %swap3A_418 = arith.constant 45 : index
    %swap3A_419 = tpu.vector_load %arg7[%swap3A_418] {strides = array<i32>} : memref<144xf32, #tpu.memory_space<vmem>>, vector<16xf32>,
    %swap3A_420 = vector.shape_cast %swap3A_419 : vector<16xf32> to vector<16xf32>
    %swap3A_421 = vector.shape_cast %get3A_417 : vector<16xf32> to vector<16xf32>
    tpu.vector_store %arg7[%swap3A_418], %swap3A_421 {strides = array<i32>} : memref<144xf32, #tpu.memory_space<vmem>>, vector<16xf32>,
    %slice3A_422 = vector.extract_strided_slice %get3A_295 {offsets = [14], sizes = [1], strides = [1]} : vector<16xi32> to vector<1xi32>
    %squeeze3A_423 = vector.extract %slice3A_422[0] : i32 from vector<1xi32>
    %get3A_424 = arith.index_cast %squeeze3A_423 : i32 to index
    %get3A_425 = tpu.vector_load %arg5[%get3A_424] {strides = array<i32>} : memref<4112xf32, #tpu.memory_space<vmem>>, vector<16xf32>,
    %get3A_426 = vector.shape_cast %get3A_425 : vector<16xf32> to vector<16xf32>
    %swap3A_427 = arith.constant 46 : index
    %swap3A_428 = tpu.vector_load %arg7[%swap3A_427] {strides = array<i32>} : memref<144xf32, #tpu.memory_space<vmem>>, vector<16xf32>,
    %swap3A_429 = vector.shape_cast %swap3A_428 : vector<16xf32> to vector<16xf32>
    %swap3A_430 = vector.shape_cast %get3A_426 : vector<16xf32> to vector<16xf32>
    tpu.vector_store %arg7[%swap3A_427], %swap3A_430 {strides = array<i32>} : memref<144xf32, #tpu.memory_space<vmem>>, vector<16xf32>,
    %slice3A_431 = vector.extract_strided_slice %get3A_295 {offsets = [15], sizes = [1], strides = [1]} : vector<16xi32> to vector<1xi32>
    %squeeze3A_432 = vector.extract %slice3A_431[0] : i32 from vector<1xi32>
    %get3A_433 = arith.index_cast %squeeze3A_432 : i32 to index
    %get3A_434 = tpu.vector_load %arg5[%get3A_433] {strides = array<i32>} : memref<4112xf32, #tpu.memory_space<vmem>>, vector<16xf32>,
    %get3A_435 = vector.shape_cast %get3A_434 : vector<16xf32> to vector<16xf32>
    %swap3A_436 = arith.constant 47 : index
    %swap3A_437 = tpu.vector_load %arg7[%swap3A_436] {strides = array<i32>} : memref<144xf32, #tpu.memory_space<vmem>>, vector<16xf32>,
    %swap3A_438 = vector.shape_cast %swap3A_437 : vector<16xf32> to vector<16xf32>
    %swap3A_439 = vector.shape_cast %get3A_435 : vector<16xf32> to vector<16xf32>
    tpu.vector_store %arg7[%swap3A_436], %swap3A_439 {strides = array<i32>} : memref<144xf32, #tpu.memory_space<vmem>>, vector<16xf32>,
    %get3A_440 = arith.constant 48 : index
    %get3A_441 = tpu.vector_load %arg6[%get3A_440] {strides = array<i32>} : memref<128xi32, #tpu.memory_space<vmem>>, vector<16xi32>,
    %get3A_442 = vector.shape_cast %get3A_441 : vector<16xi32> to vector<16xi32>
    %slice3A_443 = vector.extract_strided_slice %get3A_442 {offsets = [0], sizes = [1], strides = [1]} : vector<16xi32> to vector<1xi32>
    %squeeze3A_444 = vector.extract %slice3A_443[0] : i32 from vector<1xi32>
    %get3A_445 = arith.index_cast %squeeze3A_444 : i32 to index
    %get3A_446 = tpu.vector_load %arg5[%get3A_445] {strides = array<i32>} : memref<4112xf32, #tpu.memory_space<vmem>>, vector<16xf32>,
    %get3A_447 = vector.shape_cast %get3A_446 : vector<16xf32> to vector<16xf32>
    %swap3A_448 = arith.constant 48 : index
    %swap3A_449 = tpu.vector_load %arg7[%swap3A_448] {strides = array<i32>} : memref<144xf32, #tpu.memory_space<vmem>>, vector<16xf32>,
    %swap3A_450 = vector.shape_cast %swap3A_449 : vector<16xf32> to vector<16xf32>
    %swap3A_451 = vector.shape_cast %get3A_447 : vector<16xf32> to vector<16xf32>
    tpu.vector_store %arg7[%swap3A_448], %swap3A_451 {strides = array<i32>} : memref<144xf32, #tpu.memory_space<vmem>>, vector<16xf32>,
    %slice3A_452 = vector.extract_strided_slice %get3A_442 {offsets = [1], sizes = [1], strides = [1]} : vector<16xi32> to vector<1xi32>
    %squeeze3A_453 = vector.extract %slice3A_452[0] : i32 from vector<1xi32>
    %get3A_454 = arith.index_cast %squeeze3A_453 : i32 to index
    %get3A_455 = tpu.vector_load %arg5[%get3A_454] {strides = array<i32>} : memref<4112xf32, #tpu.memory_space<vmem>>, vector<16xf32>,
    %get3A_456 = vector.shape_cast %get3A_455 : vector<16xf32> to vector<16xf32>
    %swap3A_457 = arith.constant 49 : index
    %swap3A_458 = tpu.vector_load %arg7[%swap3A_457] {strides = array<i32>} : memref<144xf32, #tpu.memory_space<vmem>>, vector<16xf32>,
    %swap3A_459 = vector.shape_cast %swap3A_458 : vector<16xf32> to vector<16xf32>
    %swap3A_460 = vector.shape_cast %get3A_456 : vector<16xf32> to vector<16xf32>
    tpu.vector_store %arg7[%swap3A_457], %swap3A_460 {strides = array<i32>} : memref<144xf32, #tpu.memory_space<vmem>>, vector<16xf32>,
    %slice3A_461 = vector.extract_strided_slice %get3A_442 {offsets = [2], sizes = [1], strides = [1]} : vector<16xi32> to vector<1xi32>
    %squeeze3A_462 = vector.extract %slice3A_461[0] : i32 from vector<1xi32>
    %get3A_463 = arith.index_cast %squeeze3A_462 : i32 to index
    %get3A_464 = tpu.vector_load %arg5[%get3A_463] {strides = array<i32>} : memref<4112xf32, #tpu.memory_space<vmem>>, vector<16xf32>,
    %get3A_465 = vector.shape_cast %get3A_464 : vector<16xf32> to vector<16xf32>
    %swap3A_466 = arith.constant 50 : index
    %swap3A_467 = tpu.vector_load %arg7[%swap3A_466] {strides = array<i32>} : memref<144xf32, #tpu.memory_space<vmem>>, vector<16xf32>,
    %swap3A_468 = vector.shape_cast %swap3A_467 : vector<16xf32> to vector<16xf32>
    %swap3A_469 = vector.shape_cast %get3A_465 : vector<16xf32> to vector<16xf32>
    tpu.vector_store %arg7[%swap3A_466], %swap3A_469 {strides = array<i32>} : memref<144xf32, #tpu.memory_space<vmem>>, vector<16xf32>,
    %slice3A_470 = vector.extract_strided_slice %get3A_442 {offsets = [3], sizes = [1], strides = [1]} : vector<16xi32> to vector<1xi32>
    %squeeze3A_471 = vector.extract %slice3A_470[0] : i32 from vector<1xi32>
    %get3A_472 = arith.index_cast %squeeze3A_471 : i32 to index
    %get3A_473 = tpu.vector_load %arg5[%get3A_472] {strides = array<i32>} : memref<4112xf32, #tpu.memory_space<vmem>>, vector<16xf32>,
    %get3A_474 = vector.shape_cast %get3A_473 : vector<16xf32> to vector<16xf32>
    %swap3A_475 = arith.constant 51 : index
    %swap3A_476 = tpu.vector_load %arg7[%swap3A_475] {strides = array<i32>} : memref<144xf32, #tpu.memory_space<vmem>>, vector<16xf32>,
    %swap3A_477 = vector.shape_cast %swap3A_476 : vector<16xf32> to vector<16xf32>
    %swap3A_478 = vector.shape_cast %get3A_474 : vector<16xf32> to vector<16xf32>
    tpu.vector_store %arg7[%swap3A_475], %swap3A_478 {strides = array<i32>} : memref<144xf32, #tpu.memory_space<vmem>>, vector<16xf32>,
    %slice3A_479 = vector.extract_strided_slice %get3A_442 {offsets = [4], sizes = [1], strides = [1]} : vector<16xi32> to vector<1xi32>
    %squeeze3A_480 = vector.extract %slice3A_479[0] : i32 from vector<1xi32>
    %get3A_481 = arith.index_cast %squeeze3A_480 : i32 to index
    %get3A_482 = tpu.vector_load %arg5[%get3A_481] {strides = array<i32>} : memref<4112xf32, #tpu.memory_space<vmem>>, vector<16xf32>,
    %get3A_483 = vector.shape_cast %get3A_482 : vector<16xf32> to vector<16xf32>
    %swap3A_484 = arith.constant 52 : index
    %swap3A_485 = tpu.vector_load %arg7[%swap3A_484] {strides = array<i32>} : memref<144xf32, #tpu.memory_space<vmem>>, vector<16xf32>,
    %swap3A_486 = vector.shape_cast %swap3A_485 : vector<16xf32> to vector<16xf32>
    %swap3A_487 = vector.shape_cast %get3A_483 : vector<16xf32> to vector<16xf32>
    tpu.vector_store %arg7[%swap3A_484], %swap3A_487 {strides = array<i32>} : memref<144xf32, #tpu.memory_space<vmem>>, vector<16xf32>,
    %slice3A_488 = vector.extract_strided_slice %get3A_442 {offsets = [5], sizes = [1], strides = [1]} : vector<16xi32> to vector<1xi32>
    %squeeze3A_489 = vector.extract %slice3A_488[0] : i32 from vector<1xi32>
    %get3A_490 = arith.index_cast %squeeze3A_489 : i32 to index
    %get3A_491 = tpu.vector_load %arg5[%get3A_490] {strides = array<i32>} : memref<4112xf32, #tpu.memory_space<vmem>>, vector<16xf32>,
    %get3A_492 = vector.shape_cast %get3A_491 : vector<16xf32> to vector<16xf32>
    %swap3A_493 = arith.constant 53 : index
    %swap3A_494 = tpu.vector_load %arg7[%swap3A_493] {strides = array<i32>} : memref<144xf32, #tpu.memory_space<vmem>>, vector<16xf32>,
    %swap3A_495 = vector.shape_cast %swap3A_494 : vector<16xf32> to vector<16xf32>
    %swap3A_496 = vector.shape_cast %get3A_492 : vector<16xf32> to vector<16xf32>
    tpu.vector_store %arg7[%swap3A_493], %swap3A_496 {strides = array<i32>} : memref<144xf32, #tpu.memory_space<vmem>>, vector<16xf32>,
    %slice3A_497 = vector.extract_strided_slice %get3A_442 {offsets = [6], sizes = [1], strides = [1]} : vector<16xi32> to vector<1xi32>
    %squeeze3A_498 = vector.extract %slice3A_497[0] : i32 from vector<1xi32>
    %get3A_499 = arith.index_cast %squeeze3A_498 : i32 to index
    %get3A_500 = tpu.vector_load %arg5[%get3A_499] {strides = array<i32>} : memref<4112xf32, #tpu.memory_space<vmem>>, vector<16xf32>,
    %get3A_501 = vector.shape_cast %get3A_500 : vector<16xf32> to vector<16xf32>
    %swap3A_502 = arith.constant 54 : index
    %swap3A_503 = tpu.vector_load %arg7[%swap3A_502] {strides = array<i32>} : memref<144xf32, #tpu.memory_space<vmem>>, vector<16xf32>,
    %swap3A_504 = vector.shape_cast %swap3A_503 : vector<16xf32> to vector<16xf32>
    %swap3A_505 = vector.shape_cast %get3A_501 : vector<16xf32> to vector<16xf32>
    tpu.vector_store %arg7[%swap3A_502], %swap3A_505 {strides = array<i32>} : memref<144xf32, #tpu.memory_space<vmem>>, vector<16xf32>,
    %slice3A_506 = vector.extract_strided_slice %get3A_442 {offsets = [7], sizes = [1], strides = [1]} : vector<16xi32> to vector<1xi32>
    %squeeze3A_507 = vector.extract %slice3A_506[0] : i32 from vector<1xi32>
    %get3A_508 = arith.index_cast %squeeze3A_507 : i32 to index
    %get3A_509 = tpu.vector_load %arg5[%get3A_508] {strides = array<i32>} : memref<4112xf32, #tpu.memory_space<vmem>>, vector<16xf32>,
    %get3A_510 = vector.shape_cast %get3A_509 : vector<16xf32> to vector<16xf32>
    %swap3A_511 = arith.constant 55 : index
    %swap3A_512 = tpu.vector_load %arg7[%swap3A_511] {strides = array<i32>} : memref<144xf32, #tpu.memory_space<vmem>>, vector<16xf32>,
    %swap3A_513 = vector.shape_cast %swap3A_512 : vector<16xf32> to vector<16xf32>
    %swap3A_514 = vector.shape_cast %get3A_510 : vector<16xf32> to vector<16xf32>
    tpu.vector_store %arg7[%swap3A_511], %swap3A_514 {strides = array<i32>} : memref<144xf32, #tpu.memory_space<vmem>>, vector<16xf32>,
    %slice3A_515 = vector.extract_strided_slice %get3A_442 {offsets = [8], sizes = [1], strides = [1]} : vector<16xi32> to vector<1xi32>
    %squeeze3A_516 = vector.extract %slice3A_515[0] : i32 from vector<1xi32>
    %get3A_517 = arith.index_cast %squeeze3A_516 : i32 to index
    %get3A_518 = tpu.vector_load %arg5[%get3A_517] {strides = array<i32>} : memref<4112xf32, #tpu.memory_space<vmem>>, vector<16xf32>,
    %get3A_519 = vector.shape_cast %get3A_518 : vector<16xf32> to vector<16xf32>
    %swap3A_520 = arith.constant 56 : index
    %swap3A_521 = tpu.vector_load %arg7[%swap3A_520] {strides = array<i32>} : memref<144xf32, #tpu.memory_space<vmem>>, vector<16xf32>,
    %swap3A_522 = vector.shape_cast %swap3A_521 : vector<16xf32> to vector<16xf32>
    %swap3A_523 = vector.shape_cast %get3A_519 : vector<16xf32> to vector<16xf32>
    tpu.vector_store %arg7[%swap3A_520], %swap3A_523 {strides = array<i32>} : memref<144xf32, #tpu.memory_space<vmem>>, vector<16xf32>,
    %slice3A_524 = vector.extract_strided_slice %get3A_442 {offsets = [9], sizes = [1], strides = [1]} : vector<16xi32> to vector<1xi32>
    %squeeze3A_525 = vector.extract %slice3A_524[0] : i32 from vector<1xi32>
    %get3A_526 = arith.index_cast %squeeze3A_525 : i32 to index
    %get3A_527 = tpu.vector_load %arg5[%get3A_526] {strides = array<i32>} : memref<4112xf32, #tpu.memory_space<vmem>>, vector<16xf32>,
    %get3A_528 = vector.shape_cast %get3A_527 : vector<16xf32> to vector<16xf32>
    %swap3A_529 = arith.constant 57 : index
    %swap3A_530 = tpu.vector_load %arg7[%swap3A_529] {strides = array<i32>} : memref<144xf32, #tpu.memory_space<vmem>>, vector<16xf32>,
    %swap3A_531 = vector.shape_cast %swap3A_530 : vector<16xf32> to vector<16xf32>
    %swap3A_532 = vector.shape_cast %get3A_528 : vector<16xf32> to vector<16xf32>
    tpu.vector_store %arg7[%swap3A_529], %swap3A_532 {strides = array<i32>} : memref<144xf32, #tpu.memory_space<vmem>>, vector<16xf32>,
    %slice3A_533 = vector.extract_strided_slice %get3A_442 {offsets = [10], sizes = [1], strides = [1]} : vector<16xi32> to vector<1xi32>
    %squeeze3A_534 = vector.extract %slice3A_533[0] : i32 from vector<1xi32>
    %get3A_535 = arith.index_cast %squeeze3A_534 : i32 to index
    %get3A_536 = tpu.vector_load %arg5[%get3A_535] {strides = array<i32>} : memref<4112xf32, #tpu.memory_space<vmem>>, vector<16xf32>,
    %get3A_537 = vector.shape_cast %get3A_536 : vector<16xf32> to vector<16xf32>
    %swap3A_538 = arith.constant 58 : index
    %swap3A_539 = tpu.vector_load %arg7[%swap3A_538] {strides = array<i32>} : memref<144xf32, #tpu.memory_space<vmem>>, vector<16xf32>,
    %swap3A_540 = vector.shape_cast %swap3A_539 : vector<16xf32> to vector<16xf32>
    %swap3A_541 = vector.shape_cast %get3A_537 : vector<16xf32> to vector<16xf32>
    tpu.vector_store %arg7[%swap3A_538], %swap3A_541 {strides = array<i32>} : memref<144xf32, #tpu.memory_space<vmem>>, vector<16xf32>,
    %slice3A_542 = vector.extract_strided_slice %get3A_442 {offsets = [11], sizes = [1], strides = [1]} : vector<16xi32> to vector<1xi32>
    %squeeze3A_543 = vector.extract %slice3A_542[0] : i32 from vector<1xi32>
    %get3A_544 = arith.index_cast %squeeze3A_543 : i32 to index
    %get3A_545 = tpu.vector_load %arg5[%get3A_544] {strides = array<i32>} : memref<4112xf32, #tpu.memory_space<vmem>>, vector<16xf32>,
    %get3A_546 = vector.shape_cast %get3A_545 : vector<16xf32> to vector<16xf32>
    %swap3A_547 = arith.constant 59 : index
    %swap3A_548 = tpu.vector_load %arg7[%swap3A_547] {strides = array<i32>} : memref<144xf32, #tpu.memory_space<vmem>>, vector<16xf32>,
    %swap3A_549 = vector.shape_cast %swap3A_548 : vector<16xf32> to vector<16xf32>
    %swap3A_550 = vector.shape_cast %get3A_546 : vector<16xf32> to vector<16xf32>
    tpu.vector_store %arg7[%swap3A_547], %swap3A_550 {strides = array<i32>} : memref<144xf32, #tpu.memory_space<vmem>>, vector<16xf32>,
    %slice3A_551 = vector.extract_strided_slice %get3A_442 {offsets = [12], sizes = [1], strides = [1]} : vector<16xi32> to vector<1xi32>
    %squeeze3A_552 = vector.extract %slice3A_551[0] : i32 from vector<1xi32>
    %get3A_553 = arith.index_cast %squeeze3A_552 : i32 to index
    %get3A_554 = tpu.vector_load %arg5[%get3A_553] {strides = array<i32>} : memref<4112xf32, #tpu.memory_space<vmem>>, vector<16xf32>,
    %get3A_555 = vector.shape_cast %get3A_554 : vector<16xf32> to vector<16xf32>
    %swap3A_556 = arith.constant 60 : index
    %swap3A_557 = tpu.vector_load %arg7[%swap3A_556] {strides = array<i32>} : memref<144xf32, #tpu.memory_space<vmem>>, vector<16xf32>,
    %swap3A_558 = vector.shape_cast %swap3A_557 : vector<16xf32> to vector<16xf32>
    %swap3A_559 = vector.shape_cast %get3A_555 : vector<16xf32> to vector<16xf32>
    tpu.vector_store %arg7[%swap3A_556], %swap3A_559 {strides = array<i32>} : memref<144xf32, #tpu.memory_space<vmem>>, vector<16xf32>,
    %slice3A_560 = vector.extract_strided_slice %get3A_442 {offsets = [13], sizes = [1], strides = [1]} : vector<16xi32> to vector<1xi32>
    %squeeze3A_561 = vector.extract %slice3A_560[0] : i32 from vector<1xi32>
    %get3A_562 = arith.index_cast %squeeze3A_561 : i32 to index
    %get3A_563 = tpu.vector_load %arg5[%get3A_562] {strides = array<i32>} : memref<4112xf32, #tpu.memory_space<vmem>>, vector<16xf32>,
    %get3A_564 = vector.shape_cast %get3A_563 : vector<16xf32> to vector<16xf32>
    %swap3A_565 = arith.constant 61 : index
    %swap3A_566 = tpu.vector_load %arg7[%swap3A_565] {strides = array<i32>} : memref<144xf32, #tpu.memory_space<vmem>>, vector<16xf32>,
    %swap3A_567 = vector.shape_cast %swap3A_566 : vector<16xf32> to vector<16xf32>
    %swap3A_568 = vector.shape_cast %get3A_564 : vector<16xf32> to vector<16xf32>
    tpu.vector_store %arg7[%swap3A_565], %swap3A_568 {strides = array<i32>} : memref<144xf32, #tpu.memory_space<vmem>>, vector<16xf32>,
    %slice3A_569 = vector.extract_strided_slice %get3A_442 {offsets = [14], sizes = [1], strides = [1]} : vector<16xi32> to vector<1xi32>
    %squeeze3A_570 = vector.extract %slice3A_569[0] : i32 from vector<1xi32>
    %get3A_571 = arith.index_cast %squeeze3A_570 : i32 to index
    %get3A_572 = tpu.vector_load %arg5[%get3A_571] {strides = array<i32>} : memref<4112xf32, #tpu.memory_space<vmem>>, vector<16xf32>,
    %get3A_573 = vector.shape_cast %get3A_572 : vector<16xf32> to vector<16xf32>
    %swap3A_574 = arith.constant 62 : index
    %swap3A_575 = tpu.vector_load %arg7[%swap3A_574] {strides = array<i32>} : memref<144xf32, #tpu.memory_space<vmem>>, vector<16xf32>,
    %swap3A_576 = vector.shape_cast %swap3A_575 : vector<16xf32> to vector<16xf32>
    %swap3A_577 = vector.shape_cast %get3A_573 : vector<16xf32> to vector<16xf32>
    tpu.vector_store %arg7[%swap3A_574], %swap3A_577 {strides = array<i32>} : memref<144xf32, #tpu.memory_space<vmem>>, vector<16xf32>,
    %slice3A_578 = vector.extract_strided_slice %get3A_442 {offsets = [15], sizes = [1], strides = [1]} : vector<16xi32> to vector<1xi32>
    %squeeze3A_579 = vector.extract %slice3A_578[0] : i32 from vector<1xi32>
    %get3A_580 = arith.index_cast %squeeze3A_579 : i32 to index
    %get3A_581 = tpu.vector_load %arg5[%get3A_580] {strides = array<i32>} : memref<4112xf32, #tpu.memory_space<vmem>>, vector<16xf32>,
    %get3A_582 = vector.shape_cast %get3A_581 : vector<16xf32> to vector<16xf32>
    %swap3A_583 = arith.constant 63 : index
    %swap3A_584 = tpu.vector_load %arg7[%swap3A_583] {strides = array<i32>} : memref<144xf32, #tpu.memory_space<vmem>>, vector<16xf32>,
    %swap3A_585 = vector.shape_cast %swap3A_584 : vector<16xf32> to vector<16xf32>
    %swap3A_586 = vector.shape_cast %get3A_582 : vector<16xf32> to vector<16xf32>
    tpu.vector_store %arg7[%swap3A_583], %swap3A_586 {strides = array<i32>} : memref<144xf32, #tpu.memory_space<vmem>>, vector<16xf32>,
    %get3A_587 = arith.constant 64 : index
    %get3A_588 = tpu.vector_load %arg6[%get3A_587] {strides = array<i32>} : memref<128xi32, #tpu.memory_space<vmem>>, vector<16xi32>,
    %get3A_589 = vector.shape_cast %get3A_588 : vector<16xi32> to vector<16xi32>
    %slice3A_590 = vector.extract_strided_slice %get3A_589 {offsets = [0], sizes = [1], strides = [1]} : vector<16xi32> to vector<1xi32>
    %squeeze3A_591 = vector.extract %slice3A_590[0] : i32 from vector<1xi32>
    %get3A_592 = arith.index_cast %squeeze3A_591 : i32 to index
    %get3A_593 = tpu.vector_load %arg5[%get3A_592] {strides = array<i32>} : memref<4112xf32, #tpu.memory_space<vmem>>, vector<16xf32>,
    %get3A_594 = vector.shape_cast %get3A_593 : vector<16xf32> to vector<16xf32>
    %swap3A_595 = arith.constant 64 : index
    %swap3A_596 = tpu.vector_load %arg7[%swap3A_595] {strides = array<i32>} : memref<144xf32, #tpu.memory_space<vmem>>, vector<16xf32>,
    %swap3A_597 = vector.shape_cast %swap3A_596 : vector<16xf32> to vector<16xf32>
    %swap3A_598 = vector.shape_cast %get3A_594 : vector<16xf32> to vector<16xf32>
    tpu.vector_store %arg7[%swap3A_595], %swap3A_598 {strides = array<i32>} : memref<144xf32, #tpu.memory_space<vmem>>, vector<16xf32>,
    %slice3A_599 = vector.extract_strided_slice %get3A_589 {offsets = [1], sizes = [1], strides = [1]} : vector<16xi32> to vector<1xi32>
    %squeeze3A_600 = vector.extract %slice3A_599[0] : i32 from vector<1xi32>
    %get3A_601 = arith.index_cast %squeeze3A_600 : i32 to index
    %get3A_602 = tpu.vector_load %arg5[%get3A_601] {strides = array<i32>} : memref<4112xf32, #tpu.memory_space<vmem>>, vector<16xf32>,
    %get3A_603 = vector.shape_cast %get3A_602 : vector<16xf32> to vector<16xf32>
    %swap3A_604 = arith.constant 65 : index
    %swap3A_605 = tpu.vector_load %arg7[%swap3A_604] {strides = array<i32>} : memref<144xf32, #tpu.memory_space<vmem>>, vector<16xf32>,
    %swap3A_606 = vector.shape_cast %swap3A_605 : vector<16xf32> to vector<16xf32>
    %swap3A_607 = vector.shape_cast %get3A_603 : vector<16xf32> to vector<16xf32>
    tpu.vector_store %arg7[%swap3A_604], %swap3A_607 {strides = array<i32>} : memref<144xf32, #tpu.memory_space<vmem>>, vector<16xf32>,
    %slice3A_608 = vector.extract_strided_slice %get3A_589 {offsets = [2], sizes = [1], strides = [1]} : vector<16xi32> to vector<1xi32>
    %squeeze3A_609 = vector.extract %slice3A_608[0] : i32 from vector<1xi32>
    %get3A_610 = arith.index_cast %squeeze3A_609 : i32 to index
    %get3A_611 = tpu.vector_load %arg5[%get3A_610] {strides = array<i32>} : memref<4112xf32, #tpu.memory_space<vmem>>, vector<16xf32>,
    %get3A_612 = vector.shape_cast %get3A_611 : vector<16xf32> to vector<16xf32>
    %swap3A_613 = arith.constant 66 : index
    %swap3A_614 = tpu.vector_load %arg7[%swap3A_613] {strides = array<i32>} : memref<144xf32, #tpu.memory_space<vmem>>, vector<16xf32>,
    %swap3A_615 = vector.shape_cast %swap3A_614 : vector<16xf32> to vector<16xf32>
    %swap3A_616 = vector.shape_cast %get3A_612 : vector<16xf32> to vector<16xf32>
    tpu.vector_store %arg7[%swap3A_613], %swap3A_616 {strides = array<i32>} : memref<144xf32, #tpu.memory_space<vmem>>, vector<16xf32>,
    %slice3A_617 = vector.extract_strided_slice %get3A_589 {offsets = [3], sizes = [1], strides = [1]} : vector<16xi32> to vector<1xi32>
    %squeeze3A_618 = vector.extract %slice3A_617[0] : i32 from vector<1xi32>
    %get3A_619 = arith.index_cast %squeeze3A_618 : i32 to index
    %get3A_620 = tpu.vector_load %arg5[%get3A_619] {strides = array<i32>} : memref<4112xf32, #tpu.memory_space<vmem>>, vector<16xf32>,
    %get3A_621 = vector.shape_cast %get3A_620 : vector<16xf32> to vector<16xf32>
    %swap3A_622 = arith.constant 67 : index
    %swap3A_623 = tpu.vector_load %arg7[%swap3A_622] {strides = array<i32>} : memref<144xf32, #tpu.memory_space<vmem>>, vector<16xf32>,
    %swap3A_624 = vector.shape_cast %swap3A_623 : vector<16xf32> to vector<16xf32>
    %swap3A_625 = vector.shape_cast %get3A_621 : vector<16xf32> to vector<16xf32>
    tpu.vector_store %arg7[%swap3A_622], %swap3A_625 {strides = array<i32>} : memref<144xf32, #tpu.memory_space<vmem>>, vector<16xf32>,
    %slice3A_626 = vector.extract_strided_slice %get3A_589 {offsets = [4], sizes = [1], strides = [1]} : vector<16xi32> to vector<1xi32>
    %squeeze3A_627 = vector.extract %slice3A_626[0] : i32 from vector<1xi32>
    %get3A_628 = arith.index_cast %squeeze3A_627 : i32 to index
    %get3A_629 = tpu.vector_load %arg5[%get3A_628] {strides = array<i32>} : memref<4112xf32, #tpu.memory_space<vmem>>, vector<16xf32>,
    %get3A_630 = vector.shape_cast %get3A_629 : vector<16xf32> to vector<16xf32>
    %swap3A_631 = arith.constant 68 : index
    %swap3A_632 = tpu.vector_load %arg7[%swap3A_631] {strides = array<i32>} : memref<144xf32, #tpu.memory_space<vmem>>, vector<16xf32>,
    %swap3A_633 = vector.shape_cast %swap3A_632 : vector<16xf32> to vector<16xf32>
    %swap3A_634 = vector.shape_cast %get3A_630 : vector<16xf32> to vector<16xf32>
    tpu.vector_store %arg7[%swap3A_631], %swap3A_634 {strides = array<i32>} : memref<144xf32, #tpu.memory_space<vmem>>, vector<16xf32>,
    %slice3A_635 = vector.extract_strided_slice %get3A_589 {offsets = [5], sizes = [1], strides = [1]} : vector<16xi32> to vector<1xi32>
    %squeeze3A_636 = vector.extract %slice3A_635[0] : i32 from vector<1xi32>
    %get3A_637 = arith.index_cast %squeeze3A_636 : i32 to index
    %get3A_638 = tpu.vector_load %arg5[%get3A_637] {strides = array<i32>} : memref<4112xf32, #tpu.memory_space<vmem>>, vector<16xf32>,
    %get3A_639 = vector.shape_cast %get3A_638 : vector<16xf32> to vector<16xf32>
    %swap3A_640 = arith.constant 69 : index
    %swap3A_641 = tpu.vector_load %arg7[%swap3A_640] {strides = array<i32>} : memref<144xf32, #tpu.memory_space<vmem>>, vector<16xf32>,
    %swap3A_642 = vector.shape_cast %swap3A_641 : vector<16xf32> to vector<16xf32>
    %swap3A_643 = vector.shape_cast %get3A_639 : vector<16xf32> to vector<16xf32>
    tpu.vector_store %arg7[%swap3A_640], %swap3A_643 {strides = array<i32>} : memref<144xf32, #tpu.memory_space<vmem>>, vector<16xf32>,
    %slice3A_644 = vector.extract_strided_slice %get3A_589 {offsets = [6], sizes = [1], strides = [1]} : vector<16xi32> to vector<1xi32>
    %squeeze3A_645 = vector.extract %slice3A_644[0] : i32 from vector<1xi32>
    %get3A_646 = arith.index_cast %squeeze3A_645 : i32 to index
    %get3A_647 = tpu.vector_load %arg5[%get3A_646] {strides = array<i32>} : memref<4112xf32, #tpu.memory_space<vmem>>, vector<16xf32>,
    %get3A_648 = vector.shape_cast %get3A_647 : vector<16xf32> to vector<16xf32>
    %swap3A_649 = arith.constant 70 : index
    %swap3A_650 = tpu.vector_load %arg7[%swap3A_649] {strides = array<i32>} : memref<144xf32, #tpu.memory_space<vmem>>, vector<16xf32>,
    %swap3A_651 = vector.shape_cast %swap3A_650 : vector<16xf32> to vector<16xf32>
    %swap3A_652 = vector.shape_cast %get3A_648 : vector<16xf32> to vector<16xf32>
    tpu.vector_store %arg7[%swap3A_649], %swap3A_652 {strides = array<i32>} : memref<144xf32, #tpu.memory_space<vmem>>, vector<16xf32>,
    %slice3A_653 = vector.extract_strided_slice %get3A_589 {offsets = [7], sizes = [1], strides = [1]} : vector<16xi32> to vector<1xi32>
    %squeeze3A_654 = vector.extract %slice3A_653[0] : i32 from vector<1xi32>
    %get3A_655 = arith.index_cast %squeeze3A_654 : i32 to index
    %get3A_656 = tpu.vector_load %arg5[%get3A_655] {strides = array<i32>} : memref<4112xf32, #tpu.memory_space<vmem>>, vector<16xf32>,
    %get3A_657 = vector.shape_cast %get3A_656 : vector<16xf32> to vector<16xf32>
    %swap3A_658 = arith.constant 71 : index
    %swap3A_659 = tpu.vector_load %arg7[%swap3A_658] {strides = array<i32>} : memref<144xf32, #tpu.memory_space<vmem>>, vector<16xf32>,
    %swap3A_660 = vector.shape_cast %swap3A_659 : vector<16xf32> to vector<16xf32>
    %swap3A_661 = vector.shape_cast %get3A_657 : vector<16xf32> to vector<16xf32>
    tpu.vector_store %arg7[%swap3A_658], %swap3A_661 {strides = array<i32>} : memref<144xf32, #tpu.memory_space<vmem>>, vector<16xf32>,
    %slice3A_662 = vector.extract_strided_slice %get3A_589 {offsets = [8], sizes = [1], strides = [1]} : vector<16xi32> to vector<1xi32>
    %squeeze3A_663 = vector.extract %slice3A_662[0] : i32 from vector<1xi32>
    %get3A_664 = arith.index_cast %squeeze3A_663 : i32 to index
    %get3A_665 = tpu.vector_load %arg5[%get3A_664] {strides = array<i32>} : memref<4112xf32, #tpu.memory_space<vmem>>, vector<16xf32>,
    %get3A_666 = vector.shape_cast %get3A_665 : vector<16xf32> to vector<16xf32>
    %swap3A_667 = arith.constant 72 : index
    %swap3A_668 = tpu.vector_load %arg7[%swap3A_667] {strides = array<i32>} : memref<144xf32, #tpu.memory_space<vmem>>, vector<16xf32>,
    %swap3A_669 = vector.shape_cast %swap3A_668 : vector<16xf32> to vector<16xf32>
    %swap3A_670 = vector.shape_cast %get3A_666 : vector<16xf32> to vector<16xf32>
    tpu.vector_store %arg7[%swap3A_667], %swap3A_670 {strides = array<i32>} : memref<144xf32, #tpu.memory_space<vmem>>, vector<16xf32>,
    %slice3A_671 = vector.extract_strided_slice %get3A_589 {offsets = [9], sizes = [1], strides = [1]} : vector<16xi32> to vector<1xi32>
    %squeeze3A_672 = vector.extract %slice3A_671[0] : i32 from vector<1xi32>
    %get3A_673 = arith.index_cast %squeeze3A_672 : i32 to index
    %get3A_674 = tpu.vector_load %arg5[%get3A_673] {strides = array<i32>} : memref<4112xf32, #tpu.memory_space<vmem>>, vector<16xf32>,
    %get3A_675 = vector.shape_cast %get3A_674 : vector<16xf32> to vector<16xf32>
    %swap3A_676 = arith.constant 73 : index
    %swap3A_677 = tpu.vector_load %arg7[%swap3A_676] {strides = array<i32>} : memref<144xf32, #tpu.memory_space<vmem>>, vector<16xf32>,
    %swap3A_678 = vector.shape_cast %swap3A_677 : vector<16xf32> to vector<16xf32>
    %swap3A_679 = vector.shape_cast %get3A_675 : vector<16xf32> to vector<16xf32>
    tpu.vector_store %arg7[%swap3A_676], %swap3A_679 {strides = array<i32>} : memref<144xf32, #tpu.memory_space<vmem>>, vector<16xf32>,
    %slice3A_680 = vector.extract_strided_slice %get3A_589 {offsets = [10], sizes = [1], strides = [1]} : vector<16xi32> to vector<1xi32>
    %squeeze3A_681 = vector.extract %slice3A_680[0] : i32 from vector<1xi32>
    %get3A_682 = arith.index_cast %squeeze3A_681 : i32 to index
    %get3A_683 = tpu.vector_load %arg5[%get3A_682] {strides = array<i32>} : memref<4112xf32, #tpu.memory_space<vmem>>, vector<16xf32>,
    %get3A_684 = vector.shape_cast %get3A_683 : vector<16xf32> to vector<16xf32>
    %swap3A_685 = arith.constant 74 : index
    %swap3A_686 = tpu.vector_load %arg7[%swap3A_685] {strides = array<i32>} : memref<144xf32, #tpu.memory_space<vmem>>, vector<16xf32>,
    %swap3A_687 = vector.shape_cast %swap3A_686 : vector<16xf32> to vector<16xf32>
    %swap3A_688 = vector.shape_cast %get3A_684 : vector<16xf32> to vector<16xf32>
    tpu.vector_store %arg7[%swap3A_685], %swap3A_688 {strides = array<i32>} : memref<144xf32, #tpu.memory_space<vmem>>, vector<16xf32>,
    %slice3A_689 = vector.extract_strided_slice %get3A_589 {offsets = [11], sizes = [1], strides = [1]} : vector<16xi32> to vector<1xi32>
    %squeeze3A_690 = vector.extract %slice3A_689[0] : i32 from vector<1xi32>
    %get3A_691 = arith.index_cast %squeeze3A_690 : i32 to index
    %get3A_692 = tpu.vector_load %arg5[%get3A_691] {strides = array<i32>} : memref<4112xf32, #tpu.memory_space<vmem>>, vector<16xf32>,
    %get3A_693 = vector.shape_cast %get3A_692 : vector<16xf32> to vector<16xf32>
    %swap3A_694 = arith.constant 75 : index
    %swap3A_695 = tpu.vector_load %arg7[%swap3A_694] {strides = array<i32>} : memref<144xf32, #tpu.memory_space<vmem>>, vector<16xf32>,
    %swap3A_696 = vector.shape_cast %swap3A_695 : vector<16xf32> to vector<16xf32>
    %swap3A_697 = vector.shape_cast %get3A_693 : vector<16xf32> to vector<16xf32>
    tpu.vector_store %arg7[%swap3A_694], %swap3A_697 {strides = array<i32>} : memref<144xf32, #tpu.memory_space<vmem>>, vector<16xf32>,
    %slice3A_698 = vector.extract_strided_slice %get3A_589 {offsets = [12], sizes = [1], strides = [1]} : vector<16xi32> to vector<1xi32>
    %squeeze3A_699 = vector.extract %slice3A_698[0] : i32 from vector<1xi32>
    %get3A_700 = arith.index_cast %squeeze3A_699 : i32 to index
    %get3A_701 = tpu.vector_load %arg5[%get3A_700] {strides = array<i32>} : memref<4112xf32, #tpu.memory_space<vmem>>, vector<16xf32>,
    %get3A_702 = vector.shape_cast %get3A_701 : vector<16xf32> to vector<16xf32>
    %swap3A_703 = arith.constant 76 : index
    %swap3A_704 = tpu.vector_load %arg7[%swap3A_703] {strides = array<i32>} : memref<144xf32, #tpu.memory_space<vmem>>, vector<16xf32>,
    %swap3A_705 = vector.shape_cast %swap3A_704 : vector<16xf32> to vector<16xf32>
    %swap3A_706 = vector.shape_cast %get3A_702 : vector<16xf32> to vector<16xf32>
    tpu.vector_store %arg7[%swap3A_703], %swap3A_706 {strides = array<i32>} : memref<144xf32, #tpu.memory_space<vmem>>, vector<16xf32>,
    %slice3A_707 = vector.extract_strided_slice %get3A_589 {offsets = [13], sizes = [1], strides = [1]} : vector<16xi32> to vector<1xi32>
    %squeeze3A_708 = vector.extract %slice3A_707[0] : i32 from vector<1xi32>
    %get3A_709 = arith.index_cast %squeeze3A_708 : i32 to index
    %get3A_710 = tpu.vector_load %arg5[%get3A_709] {strides = array<i32>} : memref<4112xf32, #tpu.memory_space<vmem>>, vector<16xf32>,
    %get3A_711 = vector.shape_cast %get3A_710 : vector<16xf32> to vector<16xf32>
    %swap3A_712 = arith.constant 77 : index
    %swap3A_713 = tpu.vector_load %arg7[%swap3A_712] {strides = array<i32>} : memref<144xf32, #tpu.memory_space<vmem>>, vector<16xf32>,
    %swap3A_714 = vector.shape_cast %swap3A_713 : vector<16xf32> to vector<16xf32>
    %swap3A_715 = vector.shape_cast %get3A_711 : vector<16xf32> to vector<16xf32>
    tpu.vector_store %arg7[%swap3A_712], %swap3A_715 {strides = array<i32>} : memref<144xf32, #tpu.memory_space<vmem>>, vector<16xf32>,
    %slice3A_716 = vector.extract_strided_slice %get3A_589 {offsets = [14], sizes = [1], strides = [1]} : vector<16xi32> to vector<1xi32>
    %squeeze3A_717 = vector.extract %slice3A_716[0] : i32 from vector<1xi32>
    %get3A_718 = arith.index_cast %squeeze3A_717 : i32 to index
    %get3A_719 = tpu.vector_load %arg5[%get3A_718] {strides = array<i32>} : memref<4112xf32, #tpu.memory_space<vmem>>, vector<16xf32>,
    %get3A_720 = vector.shape_cast %get3A_719 : vector<16xf32> to vector<16xf32>
    %swap3A_721 = arith.constant 78 : index
    %swap3A_722 = tpu.vector_load %arg7[%swap3A_721] {strides = array<i32>} : memref<144xf32, #tpu.memory_space<vmem>>, vector<16xf32>,
    %swap3A_723 = vector.shape_cast %swap3A_722 : vector<16xf32> to vector<16xf32>
    %swap3A_724 = vector.shape_cast %get3A_720 : vector<16xf32> to vector<16xf32>
    tpu.vector_store %arg7[%swap3A_721], %swap3A_724 {strides = array<i32>} : memref<144xf32, #tpu.memory_space<vmem>>, vector<16xf32>,
    %slice3A_725 = vector.extract_strided_slice %get3A_589 {offsets = [15], sizes = [1], strides = [1]} : vector<16xi32> to vector<1xi32>
    %squeeze3A_726 = vector.extract %slice3A_725[0] : i32 from vector<1xi32>
    %get3A_727 = arith.index_cast %squeeze3A_726 : i32 to index
    %get3A_728 = tpu.vector_load %arg5[%get3A_727] {strides = array<i32>} : memref<4112xf32, #tpu.memory_space<vmem>>, vector<16xf32>,
    %get3A_729 = vector.shape_cast %get3A_728 : vector<16xf32> to vector<16xf32>
    %swap3A_730 = arith.constant 79 : index
    %swap3A_731 = tpu.vector_load %arg7[%swap3A_730] {strides = array<i32>} : memref<144xf32, #tpu.memory_space<vmem>>, vector<16xf32>,
    %swap3A_732 = vector.shape_cast %swap3A_731 : vector<16xf32> to vector<16xf32>
    %swap3A_733 = vector.shape_cast %get3A_729 : vector<16xf32> to vector<16xf32>
    tpu.vector_store %arg7[%swap3A_730], %swap3A_733 {strides = array<i32>} : memref<144xf32, #tpu.memory_space<vmem>>, vector<16xf32>,
    %get3A_734 = arith.constant 80 : index
    %get3A_735 = tpu.vector_load %arg6[%get3A_734] {strides = array<i32>} : memref<128xi32, #tpu.memory_space<vmem>>, vector<16xi32>,
    %get3A_736 = vector.shape_cast %get3A_735 : vector<16xi32> to vector<16xi32>
    %slice3A_737 = vector.extract_strided_slice %get3A_736 {offsets = [0], sizes = [1], strides = [1]} : vector<16xi32> to vector<1xi32>
    %squeeze3A_738 = vector.extract %slice3A_737[0] : i32 from vector<1xi32>
    %get3A_739 = arith.index_cast %squeeze3A_738 : i32 to index
    %get3A_740 = tpu.vector_load %arg5[%get3A_739] {strides = array<i32>} : memref<4112xf32, #tpu.memory_space<vmem>>, vector<16xf32>,
    %get3A_741 = vector.shape_cast %get3A_740 : vector<16xf32> to vector<16xf32>
    %swap3A_742 = arith.constant 80 : index
    %swap3A_743 = tpu.vector_load %arg7[%swap3A_742] {strides = array<i32>} : memref<144xf32, #tpu.memory_space<vmem>>, vector<16xf32>,
    %swap3A_744 = vector.shape_cast %swap3A_743 : vector<16xf32> to vector<16xf32>
    %swap3A_745 = vector.shape_cast %get3A_741 : vector<16xf32> to vector<16xf32>
    tpu.vector_store %arg7[%swap3A_742], %swap3A_745 {strides = array<i32>} : memref<144xf32, #tpu.memory_space<vmem>>, vector<16xf32>,
    %slice3A_746 = vector.extract_strided_slice %get3A_736 {offsets = [1], sizes = [1], strides = [1]} : vector<16xi32> to vector<1xi32>
    %squeeze3A_747 = vector.extract %slice3A_746[0] : i32 from vector<1xi32>
    %get3A_748 = arith.index_cast %squeeze3A_747 : i32 to index
    %get3A_749 = tpu.vector_load %arg5[%get3A_748] {strides = array<i32>} : memref<4112xf32, #tpu.memory_space<vmem>>, vector<16xf32>,
    %get3A_750 = vector.shape_cast %get3A_749 : vector<16xf32> to vector<16xf32>
    %swap3A_751 = arith.constant 81 : index
    %swap3A_752 = tpu.vector_load %arg7[%swap3A_751] {strides = array<i32>} : memref<144xf32, #tpu.memory_space<vmem>>, vector<16xf32>,
    %swap3A_753 = vector.shape_cast %swap3A_752 : vector<16xf32> to vector<16xf32>
    %swap3A_754 = vector.shape_cast %get3A_750 : vector<16xf32> to vector<16xf32>
    tpu.vector_store %arg7[%swap3A_751], %swap3A_754 {strides = array<i32>} : memref<144xf32, #tpu.memory_space<vmem>>, vector<16xf32>,
    %slice3A_755 = vector.extract_strided_slice %get3A_736 {offsets = [2], sizes = [1], strides = [1]} : vector<16xi32> to vector<1xi32>
    %squeeze3A_756 = vector.extract %slice3A_755[0] : i32 from vector<1xi32>
    %get3A_757 = arith.index_cast %squeeze3A_756 : i32 to index
    %get3A_758 = tpu.vector_load %arg5[%get3A_757] {strides = array<i32>} : memref<4112xf32, #tpu.memory_space<vmem>>, vector<16xf32>,
    %get3A_759 = vector.shape_cast %get3A_758 : vector<16xf32> to vector<16xf32>
    %swap3A_760 = arith.constant 82 : index
    %swap3A_761 = tpu.vector_load %arg7[%swap3A_760] {strides = array<i32>} : memref<144xf32, #tpu.memory_space<vmem>>, vector<16xf32>,
    %swap3A_762 = vector.shape_cast %swap3A_761 : vector<16xf32> to vector<16xf32>
    %swap3A_763 = vector.shape_cast %get3A_759 : vector<16xf32> to vector<16xf32>
    tpu.vector_store %arg7[%swap3A_760], %swap3A_763 {strides = array<i32>} : memref<144xf32, #tpu.memory_space<vmem>>, vector<16xf32>,
    %slice3A_764 = vector.extract_strided_slice %get3A_736 {offsets = [3], sizes = [1], strides = [1]} : vector<16xi32> to vector<1xi32>
    %squeeze3A_765 = vector.extract %slice3A_764[0] : i32 from vector<1xi32>
    %get3A_766 = arith.index_cast %squeeze3A_765 : i32 to index
    %get3A_767 = tpu.vector_load %arg5[%get3A_766] {strides = array<i32>} : memref<4112xf32, #tpu.memory_space<vmem>>, vector<16xf32>,
    %get3A_768 = vector.shape_cast %get3A_767 : vector<16xf32> to vector<16xf32>
    %swap3A_769 = arith.constant 83 : index
    %swap3A_770 = tpu.vector_load %arg7[%swap3A_769] {strides = array<i32>} : memref<144xf32, #tpu.memory_space<vmem>>, vector<16xf32>,
    %swap3A_771 = vector.shape_cast %swap3A_770 : vector<16xf32> to vector<16xf32>
    %swap3A_772 = vector.shape_cast %get3A_768 : vector<16xf32> to vector<16xf32>
    tpu.vector_store %arg7[%swap3A_769], %swap3A_772 {strides = array<i32>} : memref<144xf32, #tpu.memory_space<vmem>>, vector<16xf32>,
    %slice3A_773 = vector.extract_strided_slice %get3A_736 {offsets = [4], sizes = [1], strides = [1]} : vector<16xi32> to vector<1xi32>
    %squeeze3A_774 = vector.extract %slice3A_773[0] : i32 from vector<1xi32>
    %get3A_775 = arith.index_cast %squeeze3A_774 : i32 to index
    %get3A_776 = tpu.vector_load %arg5[%get3A_775] {strides = array<i32>} : memref<4112xf32, #tpu.memory_space<vmem>>, vector<16xf32>,
    %get3A_777 = vector.shape_cast %get3A_776 : vector<16xf32> to vector<16xf32>
    %swap3A_778 = arith.constant 84 : index
    %swap3A_779 = tpu.vector_load %arg7[%swap3A_778] {strides = array<i32>} : memref<144xf32, #tpu.memory_space<vmem>>, vector<16xf32>,
    %swap3A_780 = vector.shape_cast %swap3A_779 : vector<16xf32> to vector<16xf32>
    %swap3A_781 = vector.shape_cast %get3A_777 : vector<16xf32> to vector<16xf32>
    tpu.vector_store %arg7[%swap3A_778], %swap3A_781 {strides = array<i32>} : memref<144xf32, #tpu.memory_space<vmem>>, vector<16xf32>,
    %slice3A_782 = vector.extract_strided_slice %get3A_736 {offsets = [5], sizes = [1], strides = [1]} : vector<16xi32> to vector<1xi32>
    %squeeze3A_783 = vector.extract %slice3A_782[0] : i32 from vector<1xi32>
    %get3A_784 = arith.index_cast %squeeze3A_783 : i32 to index
    %get3A_785 = tpu.vector_load %arg5[%get3A_784] {strides = array<i32>} : memref<4112xf32, #tpu.memory_space<vmem>>, vector<16xf32>,
    %get3A_786 = vector.shape_cast %get3A_785 : vector<16xf32> to vector<16xf32>
    %swap3A_787 = arith.constant 85 : index
    %swap3A_788 = tpu.vector_load %arg7[%swap3A_787] {strides = array<i32>} : memref<144xf32, #tpu.memory_space<vmem>>, vector<16xf32>,
    %swap3A_789 = vector.shape_cast %swap3A_788 : vector<16xf32> to vector<16xf32>
    %swap3A_790 = vector.shape_cast %get3A_786 : vector<16xf32> to vector<16xf32>
    tpu.vector_store %arg7[%swap3A_787], %swap3A_790 {strides = array<i32>} : memref<144xf32, #tpu.memory_space<vmem>>, vector<16xf32>,
    %slice3A_791 = vector.extract_strided_slice %get3A_736 {offsets = [6], sizes = [1], strides = [1]} : vector<16xi32> to vector<1xi32>
    %squeeze3A_792 = vector.extract %slice3A_791[0] : i32 from vector<1xi32>
    %get3A_793 = arith.index_cast %squeeze3A_792 : i32 to index
    %get3A_794 = tpu.vector_load %arg5[%get3A_793] {strides = array<i32>} : memref<4112xf32, #tpu.memory_space<vmem>>, vector<16xf32>,
    %get3A_795 = vector.shape_cast %get3A_794 : vector<16xf32> to vector<16xf32>
    %swap3A_796 = arith.constant 86 : index
    %swap3A_797 = tpu.vector_load %arg7[%swap3A_796] {strides = array<i32>} : memref<144xf32, #tpu.memory_space<vmem>>, vector<16xf32>,
    %swap3A_798 = vector.shape_cast %swap3A_797 : vector<16xf32> to vector<16xf32>
    %swap3A_799 = vector.shape_cast %get3A_795 : vector<16xf32> to vector<16xf32>
    tpu.vector_store %arg7[%swap3A_796], %swap3A_799 {strides = array<i32>} : memref<144xf32, #tpu.memory_space<vmem>>, vector<16xf32>,
    %slice3A_800 = vector.extract_strided_slice %get3A_736 {offsets = [7], sizes = [1], strides = [1]} : vector<16xi32> to vector<1xi32>
    %squeeze3A_801 = vector.extract %slice3A_800[0] : i32 from vector<1xi32>
    %get3A_802 = arith.index_cast %squeeze3A_801 : i32 to index
    %get3A_803 = tpu.vector_load %arg5[%get3A_802] {strides = array<i32>} : memref<4112xf32, #tpu.memory_space<vmem>>, vector<16xf32>,
    %get3A_804 = vector.shape_cast %get3A_803 : vector<16xf32> to vector<16xf32>
    %swap3A_805 = arith.constant 87 : index
    %swap3A_806 = tpu.vector_load %arg7[%swap3A_805] {strides = array<i32>} : memref<144xf32, #tpu.memory_space<vmem>>, vector<16xf32>,
    %swap3A_807 = vector.shape_cast %swap3A_806 : vector<16xf32> to vector<16xf32>
    %swap3A_808 = vector.shape_cast %get3A_804 : vector<16xf32> to vector<16xf32>
    tpu.vector_store %arg7[%swap3A_805], %swap3A_808 {strides = array<i32>} : memref<144xf32, #tpu.memory_space<vmem>>, vector<16xf32>,
    %slice3A_809 = vector.extract_strided_slice %get3A_736 {offsets = [8], sizes = [1], strides = [1]} : vector<16xi32> to vector<1xi32>
    %squeeze3A_810 = vector.extract %slice3A_809[0] : i32 from vector<1xi32>
    %get3A_811 = arith.index_cast %squeeze3A_810 : i32 to index
    %get3A_812 = tpu.vector_load %arg5[%get3A_811] {strides = array<i32>} : memref<4112xf32, #tpu.memory_space<vmem>>, vector<16xf32>,
    %get3A_813 = vector.shape_cast %get3A_812 : vector<16xf32> to vector<16xf32>
    %swap3A_814 = arith.constant 88 : index
    %swap3A_815 = tpu.vector_load %arg7[%swap3A_814] {strides = array<i32>} : memref<144xf32, #tpu.memory_space<vmem>>, vector<16xf32>,
    %swap3A_816 = vector.shape_cast %swap3A_815 : vector<16xf32> to vector<16xf32>
    %swap3A_817 = vector.shape_cast %get3A_813 : vector<16xf32> to vector<16xf32>
    tpu.vector_store %arg7[%swap3A_814], %swap3A_817 {strides = array<i32>} : memref<144xf32, #tpu.memory_space<vmem>>, vector<16xf32>,
    %slice3A_818 = vector.extract_strided_slice %get3A_736 {offsets = [9], sizes = [1], strides = [1]} : vector<16xi32> to vector<1xi32>
    %squeeze3A_819 = vector.extract %slice3A_818[0] : i32 from vector<1xi32>
    %get3A_820 = arith.index_cast %squeeze3A_819 : i32 to index
    %get3A_821 = tpu.vector_load %arg5[%get3A_820] {strides = array<i32>} : memref<4112xf32, #tpu.memory_space<vmem>>, vector<16xf32>,
    %get3A_822 = vector.shape_cast %get3A_821 : vector<16xf32> to vector<16xf32>
    %swap3A_823 = arith.constant 89 : index
    %swap3A_824 = tpu.vector_load %arg7[%swap3A_823] {strides = array<i32>} : memref<144xf32, #tpu.memory_space<vmem>>, vector<16xf32>,
    %swap3A_825 = vector.shape_cast %swap3A_824 : vector<16xf32> to vector<16xf32>
    %swap3A_826 = vector.shape_cast %get3A_822 : vector<16xf32> to vector<16xf32>
    tpu.vector_store %arg7[%swap3A_823], %swap3A_826 {strides = array<i32>} : memref<144xf32, #tpu.memory_space<vmem>>, vector<16xf32>,
    %slice3A_827 = vector.extract_strided_slice %get3A_736 {offsets = [10], sizes = [1], strides = [1]} : vector<16xi32> to vector<1xi32>
    %squeeze3A_828 = vector.extract %slice3A_827[0] : i32 from vector<1xi32>
    %get3A_829 = arith.index_cast %squeeze3A_828 : i32 to index
    %get3A_830 = tpu.vector_load %arg5[%get3A_829] {strides = array<i32>} : memref<4112xf32, #tpu.memory_space<vmem>>, vector<16xf32>,
    %get3A_831 = vector.shape_cast %get3A_830 : vector<16xf32> to vector<16xf32>
    %swap3A_832 = arith.constant 90 : index
    %swap3A_833 = tpu.vector_load %arg7[%swap3A_832] {strides = array<i32>} : memref<144xf32, #tpu.memory_space<vmem>>, vector<16xf32>,
    %swap3A_834 = vector.shape_cast %swap3A_833 : vector<16xf32> to vector<16xf32>
    %swap3A_835 = vector.shape_cast %get3A_831 : vector<16xf32> to vector<16xf32>
    tpu.vector_store %arg7[%swap3A_832], %swap3A_835 {strides = array<i32>} : memref<144xf32, #tpu.memory_space<vmem>>, vector<16xf32>,
    %slice3A_836 = vector.extract_strided_slice %get3A_736 {offsets = [11], sizes = [1], strides = [1]} : vector<16xi32> to vector<1xi32>
    %squeeze3A_837 = vector.extract %slice3A_836[0] : i32 from vector<1xi32>
    %get3A_838 = arith.index_cast %squeeze3A_837 : i32 to index
    %get3A_839 = tpu.vector_load %arg5[%get3A_838] {strides = array<i32>} : memref<4112xf32, #tpu.memory_space<vmem>>, vector<16xf32>,
    %get3A_840 = vector.shape_cast %get3A_839 : vector<16xf32> to vector<16xf32>
    %swap3A_841 = arith.constant 91 : index
    %swap3A_842 = tpu.vector_load %arg7[%swap3A_841] {strides = array<i32>} : memref<144xf32, #tpu.memory_space<vmem>>, vector<16xf32>,
    %swap3A_843 = vector.shape_cast %swap3A_842 : vector<16xf32> to vector<16xf32>
    %swap3A_844 = vector.shape_cast %get3A_840 : vector<16xf32> to vector<16xf32>
    tpu.vector_store %arg7[%swap3A_841], %swap3A_844 {strides = array<i32>} : memref<144xf32, #tpu.memory_space<vmem>>, vector<16xf32>,
    %slice3A_845 = vector.extract_strided_slice %get3A_736 {offsets = [12], sizes = [1], strides = [1]} : vector<16xi32> to vector<1xi32>
    %squeeze3A_846 = vector.extract %slice3A_845[0] : i32 from vector<1xi32>
    %get3A_847 = arith.index_cast %squeeze3A_846 : i32 to index
    %get3A_848 = tpu.vector_load %arg5[%get3A_847] {strides = array<i32>} : memref<4112xf32, #tpu.memory_space<vmem>>, vector<16xf32>,
    %get3A_849 = vector.shape_cast %get3A_848 : vector<16xf32> to vector<16xf32>
    %swap3A_850 = arith.constant 92 : index
    %swap3A_851 = tpu.vector_load %arg7[%swap3A_850] {strides = array<i32>} : memref<144xf32, #tpu.memory_space<vmem>>, vector<16xf32>,
    %swap3A_852 = vector.shape_cast %swap3A_851 : vector<16xf32> to vector<16xf32>
    %swap3A_853 = vector.shape_cast %get3A_849 : vector<16xf32> to vector<16xf32>
    tpu.vector_store %arg7[%swap3A_850], %swap3A_853 {strides = array<i32>} : memref<144xf32, #tpu.memory_space<vmem>>, vector<16xf32>,
    %slice3A_854 = vector.extract_strided_slice %get3A_736 {offsets = [13], sizes = [1], strides = [1]} : vector<16xi32> to vector<1xi32>
    %squeeze3A_855 = vector.extract %slice3A_854[0] : i32 from vector<1xi32>
    %get3A_856 = arith.index_cast %squeeze3A_855 : i32 to index
    %get3A_857 = tpu.vector_load %arg5[%get3A_856] {strides = array<i32>} : memref<4112xf32, #tpu.memory_space<vmem>>, vector<16xf32>,
    %get3A_858 = vector.shape_cast %get3A_857 : vector<16xf32> to vector<16xf32>
    %swap3A_859 = arith.constant 93 : index
    %swap3A_860 = tpu.vector_load %arg7[%swap3A_859] {strides = array<i32>} : memref<144xf32, #tpu.memory_space<vmem>>, vector<16xf32>,
    %swap3A_861 = vector.shape_cast %swap3A_860 : vector<16xf32> to vector<16xf32>
    %swap3A_862 = vector.shape_cast %get3A_858 : vector<16xf32> to vector<16xf32>
    tpu.vector_store %arg7[%swap3A_859], %swap3A_862 {strides = array<i32>} : memref<144xf32, #tpu.memory_space<vmem>>, vector<16xf32>,
    %slice3A_863 = vector.extract_strided_slice %get3A_736 {offsets = [14], sizes = [1], strides = [1]} : vector<16xi32> to vector<1xi32>
    %squeeze3A_864 = vector.extract %slice3A_863[0] : i32 from vector<1xi32>
    %get3A_865 = arith.index_cast %squeeze3A_864 : i32 to index
    %get3A_866 = tpu.vector_load %arg5[%get3A_865] {strides = array<i32>} : memref<4112xf32, #tpu.memory_space<vmem>>, vector<16xf32>,
    %get3A_867 = vector.shape_cast %get3A_866 : vector<16xf32> to vector<16xf32>
    %swap3A_868 = arith.constant 94 : index
    %swap3A_869 = tpu.vector_load %arg7[%swap3A_868] {strides = array<i32>} : memref<144xf32, #tpu.memory_space<vmem>>, vector<16xf32>,
    %swap3A_870 = vector.shape_cast %swap3A_869 : vector<16xf32> to vector<16xf32>
    %swap3A_871 = vector.shape_cast %get3A_867 : vector<16xf32> to vector<16xf32>
    tpu.vector_store %arg7[%swap3A_868], %swap3A_871 {strides = array<i32>} : memref<144xf32, #tpu.memory_space<vmem>>, vector<16xf32>,
    %slice3A_872 = vector.extract_strided_slice %get3A_736 {offsets = [15], sizes = [1], strides = [1]} : vector<16xi32> to vector<1xi32>
    %squeeze3A_873 = vector.extract %slice3A_872[0] : i32 from vector<1xi32>
    %get3A_874 = arith.index_cast %squeeze3A_873 : i32 to index
    %get3A_875 = tpu.vector_load %arg5[%get3A_874] {strides = array<i32>} : memref<4112xf32, #tpu.memory_space<vmem>>, vector<16xf32>,
    %get3A_876 = vector.shape_cast %get3A_875 : vector<16xf32> to vector<16xf32>
    %swap3A_877 = arith.constant 95 : index
    %swap3A_878 = tpu.vector_load %arg7[%swap3A_877] {strides = array<i32>} : memref<144xf32, #tpu.memory_space<vmem>>, vector<16xf32>,
    %swap3A_879 = vector.shape_cast %swap3A_878 : vector<16xf32> to vector<16xf32>
    %swap3A_880 = vector.shape_cast %get3A_876 : vector<16xf32> to vector<16xf32>
    tpu.vector_store %arg7[%swap3A_877], %swap3A_880 {strides = array<i32>} : memref<144xf32, #tpu.memory_space<vmem>>, vector<16xf32>,
    %get3A_881 = arith.constant 96 : index
    %get3A_882 = tpu.vector_load %arg6[%get3A_881] {strides = array<i32>} : memref<128xi32, #tpu.memory_space<vmem>>, vector<16xi32>,
    %get3A_883 = vector.shape_cast %get3A_882 : vector<16xi32> to vector<16xi32>
    %slice3A_884 = vector.extract_strided_slice %get3A_883 {offsets = [0], sizes = [1], strides = [1]} : vector<16xi32> to vector<1xi32>
    %squeeze3A_885 = vector.extract %slice3A_884[0] : i32 from vector<1xi32>
    %get3A_886 = arith.index_cast %squeeze3A_885 : i32 to index
    %get3A_887 = tpu.vector_load %arg5[%get3A_886] {strides = array<i32>} : memref<4112xf32, #tpu.memory_space<vmem>>, vector<16xf32>,
    %get3A_888 = vector.shape_cast %get3A_887 : vector<16xf32> to vector<16xf32>
    %swap3A_889 = arith.constant 96 : index
    %swap3A_890 = tpu.vector_load %arg7[%swap3A_889] {strides = array<i32>} : memref<144xf32, #tpu.memory_space<vmem>>, vector<16xf32>,
    %swap3A_891 = vector.shape_cast %swap3A_890 : vector<16xf32> to vector<16xf32>
    %swap3A_892 = vector.shape_cast %get3A_888 : vector<16xf32> to vector<16xf32>
    tpu.vector_store %arg7[%swap3A_889], %swap3A_892 {strides = array<i32>} : memref<144xf32, #tpu.memory_space<vmem>>, vector<16xf32>,
    %slice3A_893 = vector.extract_strided_slice %get3A_883 {offsets = [1], sizes = [1], strides = [1]} : vector<16xi32> to vector<1xi32>
    %squeeze3A_894 = vector.extract %slice3A_893[0] : i32 from vector<1xi32>
    %get3A_895 = arith.index_cast %squeeze3A_894 : i32 to index
    %get3A_896 = tpu.vector_load %arg5[%get3A_895] {strides = array<i32>} : memref<4112xf32, #tpu.memory_space<vmem>>, vector<16xf32>,
    %get3A_897 = vector.shape_cast %get3A_896 : vector<16xf32> to vector<16xf32>
    %swap3A_898 = arith.constant 97 : index
    %swap3A_899 = tpu.vector_load %arg7[%swap3A_898] {strides = array<i32>} : memref<144xf32, #tpu.memory_space<vmem>>, vector<16xf32>,
    %swap3A_900 = vector.shape_cast %swap3A_899 : vector<16xf32> to vector<16xf32>
    %swap3A_901 = vector.shape_cast %get3A_897 : vector<16xf32> to vector<16xf32>
    tpu.vector_store %arg7[%swap3A_898], %swap3A_901 {strides = array<i32>} : memref<144xf32, #tpu.memory_space<vmem>>, vector<16xf32>,
    %slice3A_902 = vector.extract_strided_slice %get3A_883 {offsets = [2], sizes = [1], strides = [1]} : vector<16xi32> to vector<1xi32>
    %squeeze3A_903 = vector.extract %slice3A_902[0] : i32 from vector<1xi32>
    %get3A_904 = arith.index_cast %squeeze3A_903 : i32 to index
    %get3A_905 = tpu.vector_load %arg5[%get3A_904] {strides = array<i32>} : memref<4112xf32, #tpu.memory_space<vmem>>, vector<16xf32>,
    %get3A_906 = vector.shape_cast %get3A_905 : vector<16xf32> to vector<16xf32>
    %swap3A_907 = arith.constant 98 : index
    %swap3A_908 = tpu.vector_load %arg7[%swap3A_907] {strides = array<i32>} : memref<144xf32, #tpu.memory_space<vmem>>, vector<16xf32>,
    %swap3A_909 = vector.shape_cast %swap3A_908 : vector<16xf32> to vector<16xf32>
    %swap3A_910 = vector.shape_cast %get3A_906 : vector<16xf32> to vector<16xf32>
    tpu.vector_store %arg7[%swap3A_907], %swap3A_910 {strides = array<i32>} : memref<144xf32, #tpu.memory_space<vmem>>, vector<16xf32>,
    %slice3A_911 = vector.extract_strided_slice %get3A_883 {offsets = [3], sizes = [1], strides = [1]} : vector<16xi32> to vector<1xi32>
    %squeeze3A_912 = vector.extract %slice3A_911[0] : i32 from vector<1xi32>
    %get3A_913 = arith.index_cast %squeeze3A_912 : i32 to index
    %get3A_914 = tpu.vector_load %arg5[%get3A_913] {strides = array<i32>} : memref<4112xf32, #tpu.memory_space<vmem>>, vector<16xf32>,
    %get3A_915 = vector.shape_cast %get3A_914 : vector<16xf32> to vector<16xf32>
    %swap3A_916 = arith.constant 99 : index
    %swap3A_917 = tpu.vector_load %arg7[%swap3A_916] {strides = array<i32>} : memref<144xf32, #tpu.memory_space<vmem>>, vector<16xf32>,
    %swap3A_918 = vector.shape_cast %swap3A_917 : vector<16xf32> to vector<16xf32>
    %swap3A_919 = vector.shape_cast %get3A_915 : vector<16xf32> to vector<16xf32>
    tpu.vector_store %arg7[%swap3A_916], %swap3A_919 {strides = array<i32>} : memref<144xf32, #tpu.memory_space<vmem>>, vector<16xf32>,
    %slice3A_920 = vector.extract_strided_slice %get3A_883 {offsets = [4], sizes = [1], strides = [1]} : vector<16xi32> to vector<1xi32>
    %squeeze3A_921 = vector.extract %slice3A_920[0] : i32 from vector<1xi32>
    %get3A_922 = arith.index_cast %squeeze3A_921 : i32 to index
    %get3A_923 = tpu.vector_load %arg5[%get3A_922] {strides = array<i32>} : memref<4112xf32, #tpu.memory_space<vmem>>, vector<16xf32>,
    %get3A_924 = vector.shape_cast %get3A_923 : vector<16xf32> to vector<16xf32>
    %swap3A_925 = arith.constant 100 : index
    %swap3A_926 = tpu.vector_load %arg7[%swap3A_925] {strides = array<i32>} : memref<144xf32, #tpu.memory_space<vmem>>, vector<16xf32>,
    %swap3A_927 = vector.shape_cast %swap3A_926 : vector<16xf32> to vector<16xf32>
    %swap3A_928 = vector.shape_cast %get3A_924 : vector<16xf32> to vector<16xf32>
    tpu.vector_store %arg7[%swap3A_925], %swap3A_928 {strides = array<i32>} : memref<144xf32, #tpu.memory_space<vmem>>, vector<16xf32>,
    %slice3A_929 = vector.extract_strided_slice %get3A_883 {offsets = [5], sizes = [1], strides = [1]} : vector<16xi32> to vector<1xi32>
    %squeeze3A_930 = vector.extract %slice3A_929[0] : i32 from vector<1xi32>
    %get3A_931 = arith.index_cast %squeeze3A_930 : i32 to index
    %get3A_932 = tpu.vector_load %arg5[%get3A_931] {strides = array<i32>} : memref<4112xf32, #tpu.memory_space<vmem>>, vector<16xf32>,
    %get3A_933 = vector.shape_cast %get3A_932 : vector<16xf32> to vector<16xf32>
    %swap3A_934 = arith.constant 101 : index
    %swap3A_935 = tpu.vector_load %arg7[%swap3A_934] {strides = array<i32>} : memref<144xf32, #tpu.memory_space<vmem>>, vector<16xf32>,
    %swap3A_936 = vector.shape_cast %swap3A_935 : vector<16xf32> to vector<16xf32>
    %swap3A_937 = vector.shape_cast %get3A_933 : vector<16xf32> to vector<16xf32>
    tpu.vector_store %arg7[%swap3A_934], %swap3A_937 {strides = array<i32>} : memref<144xf32, #tpu.memory_space<vmem>>, vector<16xf32>,
    %slice3A_938 = vector.extract_strided_slice %get3A_883 {offsets = [6], sizes = [1], strides = [1]} : vector<16xi32> to vector<1xi32>
    %squeeze3A_939 = vector.extract %slice3A_938[0] : i32 from vector<1xi32>
    %get3A_940 = arith.index_cast %squeeze3A_939 : i32 to index
    %get3A_941 = tpu.vector_load %arg5[%get3A_940] {strides = array<i32>} : memref<4112xf32, #tpu.memory_space<vmem>>, vector<16xf32>,
    %get3A_942 = vector.shape_cast %get3A_941 : vector<16xf32> to vector<16xf32>
    %swap3A_943 = arith.constant 102 : index
    %swap3A_944 = tpu.vector_load %arg7[%swap3A_943] {strides = array<i32>} : memref<144xf32, #tpu.memory_space<vmem>>, vector<16xf32>,
    %swap3A_945 = vector.shape_cast %swap3A_944 : vector<16xf32> to vector<16xf32>
    %swap3A_946 = vector.shape_cast %get3A_942 : vector<16xf32> to vector<16xf32>
    tpu.vector_store %arg7[%swap3A_943], %swap3A_946 {strides = array<i32>} : memref<144xf32, #tpu.memory_space<vmem>>, vector<16xf32>,
    %slice3A_947 = vector.extract_strided_slice %get3A_883 {offsets = [7], sizes = [1], strides = [1]} : vector<16xi32> to vector<1xi32>
    %squeeze3A_948 = vector.extract %slice3A_947[0] : i32 from vector<1xi32>
    %get3A_949 = arith.index_cast %squeeze3A_948 : i32 to index
    %get3A_950 = tpu.vector_load %arg5[%get3A_949] {strides = array<i32>} : memref<4112xf32, #tpu.memory_space<vmem>>, vector<16xf32>,
    %get3A_951 = vector.shape_cast %get3A_950 : vector<16xf32> to vector<16xf32>
    %swap3A_952 = arith.constant 103 : index
    %swap3A_953 = tpu.vector_load %arg7[%swap3A_952] {strides = array<i32>} : memref<144xf32, #tpu.memory_space<vmem>>, vector<16xf32>,
    %swap3A_954 = vector.shape_cast %swap3A_953 : vector<16xf32> to vector<16xf32>
    %swap3A_955 = vector.shape_cast %get3A_951 : vector<16xf32> to vector<16xf32>
    tpu.vector_store %arg7[%swap3A_952], %swap3A_955 {strides = array<i32>} : memref<144xf32, #tpu.memory_space<vmem>>, vector<16xf32>,
    %slice3A_956 = vector.extract_strided_slice %get3A_883 {offsets = [8], sizes = [1], strides = [1]} : vector<16xi32> to vector<1xi32>
    %squeeze3A_957 = vector.extract %slice3A_956[0] : i32 from vector<1xi32>
    %get3A_958 = arith.index_cast %squeeze3A_957 : i32 to index
    %get3A_959 = tpu.vector_load %arg5[%get3A_958] {strides = array<i32>} : memref<4112xf32, #tpu.memory_space<vmem>>, vector<16xf32>,
    %get3A_960 = vector.shape_cast %get3A_959 : vector<16xf32> to vector<16xf32>
    %swap3A_961 = arith.constant 104 : index
    %swap3A_962 = tpu.vector_load %arg7[%swap3A_961] {strides = array<i32>} : memref<144xf32, #tpu.memory_space<vmem>>, vector<16xf32>,
    %swap3A_963 = vector.shape_cast %swap3A_962 : vector<16xf32> to vector<16xf32>
    %swap3A_964 = vector.shape_cast %get3A_960 : vector<16xf32> to vector<16xf32>
    tpu.vector_store %arg7[%swap3A_961], %swap3A_964 {strides = array<i32>} : memref<144xf32, #tpu.memory_space<vmem>>, vector<16xf32>,
    %slice3A_965 = vector.extract_strided_slice %get3A_883 {offsets = [9], sizes = [1], strides = [1]} : vector<16xi32> to vector<1xi32>
    %squeeze3A_966 = vector.extract %slice3A_965[0] : i32 from vector<1xi32>
    %get3A_967 = arith.index_cast %squeeze3A_966 : i32 to index
    %get3A_968 = tpu.vector_load %arg5[%get3A_967] {strides = array<i32>} : memref<4112xf32, #tpu.memory_space<vmem>>, vector<16xf32>,
    %get3A_969 = vector.shape_cast %get3A_968 : vector<16xf32> to vector<16xf32>
    %swap3A_970 = arith.constant 105 : index
    %swap3A_971 = tpu.vector_load %arg7[%swap3A_970] {strides = array<i32>} : memref<144xf32, #tpu.memory_space<vmem>>, vector<16xf32>,
    %swap3A_972 = vector.shape_cast %swap3A_971 : vector<16xf32> to vector<16xf32>
    %swap3A_973 = vector.shape_cast %get3A_969 : vector<16xf32> to vector<16xf32>
    tpu.vector_store %arg7[%swap3A_970], %swap3A_973 {strides = array<i32>} : memref<144xf32, #tpu.memory_space<vmem>>, vector<16xf32>,
    %slice3A_974 = vector.extract_strided_slice %get3A_883 {offsets = [10], sizes = [1], strides = [1]} : vector<16xi32> to vector<1xi32>
    %squeeze3A_975 = vector.extract %slice3A_974[0] : i32 from vector<1xi32>
    %get3A_976 = arith.index_cast %squeeze3A_975 : i32 to index
    %get3A_977 = tpu.vector_load %arg5[%get3A_976] {strides = array<i32>} : memref<4112xf32, #tpu.memory_space<vmem>>, vector<16xf32>,
    %get3A_978 = vector.shape_cast %get3A_977 : vector<16xf32> to vector<16xf32>
    %swap3A_979 = arith.constant 106 : index
    %swap3A_980 = tpu.vector_load %arg7[%swap3A_979] {strides = array<i32>} : memref<144xf32, #tpu.memory_space<vmem>>, vector<16xf32>,
    %swap3A_981 = vector.shape_cast %swap3A_980 : vector<16xf32> to vector<16xf32>
    %swap3A_982 = vector.shape_cast %get3A_978 : vector<16xf32> to vector<16xf32>
    tpu.vector_store %arg7[%swap3A_979], %swap3A_982 {strides = array<i32>} : memref<144xf32, #tpu.memory_space<vmem>>, vector<16xf32>,
    %slice3A_983 = vector.extract_strided_slice %get3A_883 {offsets = [11], sizes = [1], strides = [1]} : vector<16xi32> to vector<1xi32>
    %squeeze3A_984 = vector.extract %slice3A_983[0] : i32 from vector<1xi32>
    %get3A_985 = arith.index_cast %squeeze3A_984 : i32 to index
    %get3A_986 = tpu.vector_load %arg5[%get3A_985] {strides = array<i32>} : memref<4112xf32, #tpu.memory_space<vmem>>, vector<16xf32>,
    %get3A_987 = vector.shape_cast %get3A_986 : vector<16xf32> to vector<16xf32>
    %swap3A_988 = arith.constant 107 : index
    %swap3A_989 = tpu.vector_load %arg7[%swap3A_988] {strides = array<i32>} : memref<144xf32, #tpu.memory_space<vmem>>, vector<16xf32>,
    %swap3A_990 = vector.shape_cast %swap3A_989 : vector<16xf32> to vector<16xf32>
    %swap3A_991 = vector.shape_cast %get3A_987 : vector<16xf32> to vector<16xf32>
    tpu.vector_store %arg7[%swap3A_988], %swap3A_991 {strides = array<i32>} : memref<144xf32, #tpu.memory_space<vmem>>, vector<16xf32>,
    %slice3A_992 = vector.extract_strided_slice %get3A_883 {offsets = [12], sizes = [1], strides = [1]} : vector<16xi32> to vector<1xi32>
    %squeeze3A_993 = vector.extract %slice3A_992[0] : i32 from vector<1xi32>
    %get3A_994 = arith.index_cast %squeeze3A_993 : i32 to index
    %get3A_995 = tpu.vector_load %arg5[%get3A_994] {strides = array<i32>} : memref<4112xf32, #tpu.memory_space<vmem>>, vector<16xf32>,
    %get3A_996 = vector.shape_cast %get3A_995 : vector<16xf32> to vector<16xf32>
    %swap3A_997 = arith.constant 108 : index
    %swap3A_998 = tpu.vector_load %arg7[%swap3A_997] {strides = array<i32>} : memref<144xf32, #tpu.memory_space<vmem>>, vector<16xf32>,
    %swap3A_999 = vector.shape_cast %swap3A_998 : vector<16xf32> to vector<16xf32>
    %swap3A_1000 = vector.shape_cast %get3A_996 : vector<16xf32> to vector<16xf32>
    tpu.vector_store %arg7[%swap3A_997], %swap3A_1000 {strides = array<i32>} : memref<144xf32, #tpu.memory_space<vmem>>, vector<16xf32>,
    %slice3A_1001 = vector.extract_strided_slice %get3A_883 {offsets = [13], sizes = [1], strides = [1]} : vector<16xi32> to vector<1xi32>
    %squeeze3A_1002 = vector.extract %slice3A_1001[0] : i32 from vector<1xi32>
    %get3A_1003 = arith.index_cast %squeeze3A_1002 : i32 to index
    %get3A_1004 = tpu.vector_load %arg5[%get3A_1003] {strides = array<i32>} : memref<4112xf32, #tpu.memory_space<vmem>>, vector<16xf32>,
    %get3A_1005 = vector.shape_cast %get3A_1004 : vector<16xf32> to vector<16xf32>
    %swap3A_1006 = arith.constant 109 : index
    %swap3A_1007 = tpu.vector_load %arg7[%swap3A_1006] {strides = array<i32>} : memref<144xf32, #tpu.memory_space<vmem>>, vector<16xf32>,
    %swap3A_1008 = vector.shape_cast %swap3A_1007 : vector<16xf32> to vector<16xf32>
    %swap3A_1009 = vector.shape_cast %get3A_1005 : vector<16xf32> to vector<16xf32>
    tpu.vector_store %arg7[%swap3A_1006], %swap3A_1009 {strides = array<i32>} : memref<144xf32, #tpu.memory_space<vmem>>, vector<16xf32>,
    %slice3A_1010 = vector.extract_strided_slice %get3A_883 {offsets = [14], sizes = [1], strides = [1]} : vector<16xi32> to vector<1xi32>
    %squeeze3A_1011 = vector.extract %slice3A_1010[0] : i32 from vector<1xi32>
    %get3A_1012 = arith.index_cast %squeeze3A_1011 : i32 to index
    %get3A_1013 = tpu.vector_load %arg5[%get3A_1012] {strides = array<i32>} : memref<4112xf32, #tpu.memory_space<vmem>>, vector<16xf32>,
    %get3A_1014 = vector.shape_cast %get3A_1013 : vector<16xf32> to vector<16xf32>
    %swap3A_1015 = arith.constant 110 : index
    %swap3A_1016 = tpu.vector_load %arg7[%swap3A_1015] {strides = array<i32>} : memref<144xf32, #tpu.memory_space<vmem>>, vector<16xf32>,
    %swap3A_1017 = vector.shape_cast %swap3A_1016 : vector<16xf32> to vector<16xf32>
    %swap3A_1018 = vector.shape_cast %get3A_1014 : vector<16xf32> to vector<16xf32>
    tpu.vector_store %arg7[%swap3A_1015], %swap3A_1018 {strides = array<i32>} : memref<144xf32, #tpu.memory_space<vmem>>, vector<16xf32>,
    %slice3A_1019 = vector.extract_strided_slice %get3A_883 {offsets = [15], sizes = [1], strides = [1]} : vector<16xi32> to vector<1xi32>
    %squeeze3A_1020 = vector.extract %slice3A_1019[0] : i32 from vector<1xi32>
    %get3A_1021 = arith.index_cast %squeeze3A_1020 : i32 to index
    %get3A_1022 = tpu.vector_load %arg5[%get3A_1021] {strides = array<i32>} : memref<4112xf32, #tpu.memory_space<vmem>>, vector<16xf32>,
    %get3A_1023 = vector.shape_cast %get3A_1022 : vector<16xf32> to vector<16xf32>
    %swap3A_1024 = arith.constant 111 : index
    %swap3A_1025 = tpu.vector_load %arg7[%swap3A_1024] {strides = array<i32>} : memref<144xf32, #tpu.memory_space<vmem>>, vector<16xf32>,
    %swap3A_1026 = vector.shape_cast %swap3A_1025 : vector<16xf32> to vector<16xf32>
    %swap3A_1027 = vector.shape_cast %get3A_1023 : vector<16xf32> to vector<16xf32>
    tpu.vector_store %arg7[%swap3A_1024], %swap3A_1027 {strides = array<i32>} : memref<144xf32, #tpu.memory_space<vmem>>, vector<16xf32>,
    %get3A_1028 = arith.constant 112 : index
    %get3A_1029 = tpu.vector_load %arg6[%get3A_1028] {strides = array<i32>} : memref<128xi32, #tpu.memory_space<vmem>>, vector<16xi32>,
    %get3A_1030 = vector.shape_cast %get3A_1029 : vector<16xi32> to vector<16xi32>
    %slice3A_1031 = vector.extract_strided_slice %get3A_1030 {offsets = [0], sizes = [1], strides = [1]} : vector<16xi32> to vector<1xi32>
    %squeeze3A_1032 = vector.extract %slice3A_1031[0] : i32 from vector<1xi32>
    %get3A_1033 = arith.index_cast %squeeze3A_1032 : i32 to index
    %get3A_1034 = tpu.vector_load %arg5[%get3A_1033] {strides = array<i32>} : memref<4112xf32, #tpu.memory_space<vmem>>, vector<16xf32>,
    %get3A_1035 = vector.shape_cast %get3A_1034 : vector<16xf32> to vector<16xf32>
    %swap3A_1036 = arith.constant 112 : index
    %swap3A_1037 = tpu.vector_load %arg7[%swap3A_1036] {strides = array<i32>} : memref<144xf32, #tpu.memory_space<vmem>>, vector<16xf32>,
    %swap3A_1038 = vector.shape_cast %swap3A_1037 : vector<16xf32> to vector<16xf32>
    %swap3A_1039 = vector.shape_cast %get3A_1035 : vector<16xf32> to vector<16xf32>
    tpu.vector_store %arg7[%swap3A_1036], %swap3A_1039 {strides = array<i32>} : memref<144xf32, #tpu.memory_space<vmem>>, vector<16xf32>,
    %slice3A_1040 = vector.extract_strided_slice %get3A_1030 {offsets = [1], sizes = [1], strides = [1]} : vector<16xi32> to vector<1xi32>
    %squeeze3A_1041 = vector.extract %slice3A_1040[0] : i32 from vector<1xi32>
    %get3A_1042 = arith.index_cast %squeeze3A_1041 : i32 to index
    %get3A_1043 = tpu.vector_load %arg5[%get3A_1042] {strides = array<i32>} : memref<4112xf32, #tpu.memory_space<vmem>>, vector<16xf32>,
    %get3A_1044 = vector.shape_cast %get3A_1043 : vector<16xf32> to vector<16xf32>
    %swap3A_1045 = arith.constant 113 : index
    %swap3A_1046 = tpu.vector_load %arg7[%swap3A_1045] {strides = array<i32>} : memref<144xf32, #tpu.memory_space<vmem>>, vector<16xf32>,
    %swap3A_1047 = vector.shape_cast %swap3A_1046 : vector<16xf32> to vector<16xf32>
    %swap3A_1048 = vector.shape_cast %get3A_1044 : vector<16xf32> to vector<16xf32>
    tpu.vector_store %arg7[%swap3A_1045], %swap3A_1048 {strides = array<i32>} : memref<144xf32, #tpu.memory_space<vmem>>, vector<16xf32>,
    %slice3A_1049 = vector.extract_strided_slice %get3A_1030 {offsets = [2], sizes = [1], strides = [1]} : vector<16xi32> to vector<1xi32>
    %squeeze3A_1050 = vector.extract %slice3A_1049[0] : i32 from vector<1xi32>
    %get3A_1051 = arith.index_cast %squeeze3A_1050 : i32 to index
    %get3A_1052 = tpu.vector_load %arg5[%get3A_1051] {strides = array<i32>} : memref<4112xf32, #tpu.memory_space<vmem>>, vector<16xf32>,
    %get3A_1053 = vector.shape_cast %get3A_1052 : vector<16xf32> to vector<16xf32>
    %swap3A_1054 = arith.constant 114 : index
    %swap3A_1055 = tpu.vector_load %arg7[%swap3A_1054] {strides = array<i32>} : memref<144xf32, #tpu.memory_space<vmem>>, vector<16xf32>,
    %swap3A_1056 = vector.shape_cast %swap3A_1055 : vector<16xf32> to vector<16xf32>
    %swap3A_1057 = vector.shape_cast %get3A_1053 : vector<16xf32> to vector<16xf32>
    tpu.vector_store %arg7[%swap3A_1054], %swap3A_1057 {strides = array<i32>} : memref<144xf32, #tpu.memory_space<vmem>>, vector<16xf32>,
    %slice3A_1058 = vector.extract_strided_slice %get3A_1030 {offsets = [3], sizes = [1], strides = [1]} : vector<16xi32> to vector<1xi32>
    %squeeze3A_1059 = vector.extract %slice3A_1058[0] : i32 from vector<1xi32>
    %get3A_1060 = arith.index_cast %squeeze3A_1059 : i32 to index
    %get3A_1061 = tpu.vector_load %arg5[%get3A_1060] {strides = array<i32>} : memref<4112xf32, #tpu.memory_space<vmem>>, vector<16xf32>,
    %get3A_1062 = vector.shape_cast %get3A_1061 : vector<16xf32> to vector<16xf32>
    %swap3A_1063 = arith.constant 115 : index
    %swap3A_1064 = tpu.vector_load %arg7[%swap3A_1063] {strides = array<i32>} : memref<144xf32, #tpu.memory_space<vmem>>, vector<16xf32>,
    %swap3A_1065 = vector.shape_cast %swap3A_1064 : vector<16xf32> to vector<16xf32>
    %swap3A_1066 = vector.shape_cast %get3A_1062 : vector<16xf32> to vector<16xf32>
    tpu.vector_store %arg7[%swap3A_1063], %swap3A_1066 {strides = array<i32>} : memref<144xf32, #tpu.memory_space<vmem>>, vector<16xf32>,
    %slice3A_1067 = vector.extract_strided_slice %get3A_1030 {offsets = [4], sizes = [1], strides = [1]} : vector<16xi32> to vector<1xi32>
    %squeeze3A_1068 = vector.extract %slice3A_1067[0] : i32 from vector<1xi32>
    %get3A_1069 = arith.index_cast %squeeze3A_1068 : i32 to index
    %get3A_1070 = tpu.vector_load %arg5[%get3A_1069] {strides = array<i32>} : memref<4112xf32, #tpu.memory_space<vmem>>, vector<16xf32>,
    %get3A_1071 = vector.shape_cast %get3A_1070 : vector<16xf32> to vector<16xf32>
    %swap3A_1072 = arith.constant 116 : index
    %swap3A_1073 = tpu.vector_load %arg7[%swap3A_1072] {strides = array<i32>} : memref<144xf32, #tpu.memory_space<vmem>>, vector<16xf32>,
    %swap3A_1074 = vector.shape_cast %swap3A_1073 : vector<16xf32> to vector<16xf32>
    %swap3A_1075 = vector.shape_cast %get3A_1071 : vector<16xf32> to vector<16xf32>
    tpu.vector_store %arg7[%swap3A_1072], %swap3A_1075 {strides = array<i32>} : memref<144xf32, #tpu.memory_space<vmem>>, vector<16xf32>,
    %slice3A_1076 = vector.extract_strided_slice %get3A_1030 {offsets = [5], sizes = [1], strides = [1]} : vector<16xi32> to vector<1xi32>
    %squeeze3A_1077 = vector.extract %slice3A_1076[0] : i32 from vector<1xi32>
    %get3A_1078 = arith.index_cast %squeeze3A_1077 : i32 to index
    %get3A_1079 = tpu.vector_load %arg5[%get3A_1078] {strides = array<i32>} : memref<4112xf32, #tpu.memory_space<vmem>>, vector<16xf32>,
    %get3A_1080 = vector.shape_cast %get3A_1079 : vector<16xf32> to vector<16xf32>
    %swap3A_1081 = arith.constant 117 : index
    %swap3A_1082 = tpu.vector_load %arg7[%swap3A_1081] {strides = array<i32>} : memref<144xf32, #tpu.memory_space<vmem>>, vector<16xf32>,
    %swap3A_1083 = vector.shape_cast %swap3A_1082 : vector<16xf32> to vector<16xf32>
    %swap3A_1084 = vector.shape_cast %get3A_1080 : vector<16xf32> to vector<16xf32>
    tpu.vector_store %arg7[%swap3A_1081], %swap3A_1084 {strides = array<i32>} : memref<144xf32, #tpu.memory_space<vmem>>, vector<16xf32>,
    %slice3A_1085 = vector.extract_strided_slice %get3A_1030 {offsets = [6], sizes = [1], strides = [1]} : vector<16xi32> to vector<1xi32>
    %squeeze3A_1086 = vector.extract %slice3A_1085[0] : i32 from vector<1xi32>
    %get3A_1087 = arith.index_cast %squeeze3A_1086 : i32 to index
    %get3A_1088 = tpu.vector_load %arg5[%get3A_1087] {strides = array<i32>} : memref<4112xf32, #tpu.memory_space<vmem>>, vector<16xf32>,
    %get3A_1089 = vector.shape_cast %get3A_1088 : vector<16xf32> to vector<16xf32>
    %swap3A_1090 = arith.constant 118 : index
    %swap3A_1091 = tpu.vector_load %arg7[%swap3A_1090] {strides = array<i32>} : memref<144xf32, #tpu.memory_space<vmem>>, vector<16xf32>,
    %swap3A_1092 = vector.shape_cast %swap3A_1091 : vector<16xf32> to vector<16xf32>
    %swap3A_1093 = vector.shape_cast %get3A_1089 : vector<16xf32> to vector<16xf32>
    tpu.vector_store %arg7[%swap3A_1090], %swap3A_1093 {strides = array<i32>} : memref<144xf32, #tpu.memory_space<vmem>>, vector<16xf32>,
    %slice3A_1094 = vector.extract_strided_slice %get3A_1030 {offsets = [7], sizes = [1], strides = [1]} : vector<16xi32> to vector<1xi32>
    %squeeze3A_1095 = vector.extract %slice3A_1094[0] : i32 from vector<1xi32>
    %get3A_1096 = arith.index_cast %squeeze3A_1095 : i32 to index
    %get3A_1097 = tpu.vector_load %arg5[%get3A_1096] {strides = array<i32>} : memref<4112xf32, #tpu.memory_space<vmem>>, vector<16xf32>,
    %get3A_1098 = vector.shape_cast %get3A_1097 : vector<16xf32> to vector<16xf32>
    %swap3A_1099 = arith.constant 119 : index
    %swap3A_1100 = tpu.vector_load %arg7[%swap3A_1099] {strides = array<i32>} : memref<144xf32, #tpu.memory_space<vmem>>, vector<16xf32>,
    %swap3A_1101 = vector.shape_cast %swap3A_1100 : vector<16xf32> to vector<16xf32>
    %swap3A_1102 = vector.shape_cast %get3A_1098 : vector<16xf32> to vector<16xf32>
    tpu.vector_store %arg7[%swap3A_1099], %swap3A_1102 {strides = array<i32>} : memref<144xf32, #tpu.memory_space<vmem>>, vector<16xf32>,
    %slice3A_1103 = vector.extract_strided_slice %get3A_1030 {offsets = [8], sizes = [1], strides = [1]} : vector<16xi32> to vector<1xi32>
    %squeeze3A_1104 = vector.extract %slice3A_1103[0] : i32 from vector<1xi32>
    %get3A_1105 = arith.index_cast %squeeze3A_1104 : i32 to index
    %get3A_1106 = tpu.vector_load %arg5[%get3A_1105] {strides = array<i32>} : memref<4112xf32, #tpu.memory_space<vmem>>, vector<16xf32>,
    %get3A_1107 = vector.shape_cast %get3A_1106 : vector<16xf32> to vector<16xf32>
    %swap3A_1108 = arith.constant 120 : index
    %swap3A_1109 = tpu.vector_load %arg7[%swap3A_1108] {strides = array<i32>} : memref<144xf32, #tpu.memory_space<vmem>>, vector<16xf32>,
    %swap3A_1110 = vector.shape_cast %swap3A_1109 : vector<16xf32> to vector<16xf32>
    %swap3A_1111 = vector.shape_cast %get3A_1107 : vector<16xf32> to vector<16xf32>
    tpu.vector_store %arg7[%swap3A_1108], %swap3A_1111 {strides = array<i32>} : memref<144xf32, #tpu.memory_space<vmem>>, vector<16xf32>,
    %slice3A_1112 = vector.extract_strided_slice %get3A_1030 {offsets = [9], sizes = [1], strides = [1]} : vector<16xi32> to vector<1xi32>
    %squeeze3A_1113 = vector.extract %slice3A_1112[0] : i32 from vector<1xi32>
    %get3A_1114 = arith.index_cast %squeeze3A_1113 : i32 to index
    %get3A_1115 = tpu.vector_load %arg5[%get3A_1114] {strides = array<i32>} : memref<4112xf32, #tpu.memory_space<vmem>>, vector<16xf32>,
    %get3A_1116 = vector.shape_cast %get3A_1115 : vector<16xf32> to vector<16xf32>
    %swap3A_1117 = arith.constant 121 : index
    %swap3A_1118 = tpu.vector_load %arg7[%swap3A_1117] {strides = array<i32>} : memref<144xf32, #tpu.memory_space<vmem>>, vector<16xf32>,
    %swap3A_1119 = vector.shape_cast %swap3A_1118 : vector<16xf32> to vector<16xf32>
    %swap3A_1120 = vector.shape_cast %get3A_1116 : vector<16xf32> to vector<16xf32>
    tpu.vector_store %arg7[%swap3A_1117], %swap3A_1120 {strides = array<i32>} : memref<144xf32, #tpu.memory_space<vmem>>, vector<16xf32>,
    %slice3A_1121 = vector.extract_strided_slice %get3A_1030 {offsets = [10], sizes = [1], strides = [1]} : vector<16xi32> to vector<1xi32>
    %squeeze3A_1122 = vector.extract %slice3A_1121[0] : i32 from vector<1xi32>
    %get3A_1123 = arith.index_cast %squeeze3A_1122 : i32 to index
    %get3A_1124 = tpu.vector_load %arg5[%get3A_1123] {strides = array<i32>} : memref<4112xf32, #tpu.memory_space<vmem>>, vector<16xf32>,
    %get3A_1125 = vector.shape_cast %get3A_1124 : vector<16xf32> to vector<16xf32>
    %swap3A_1126 = arith.constant 122 : index
    %swap3A_1127 = tpu.vector_load %arg7[%swap3A_1126] {strides = array<i32>} : memref<144xf32, #tpu.memory_space<vmem>>, vector<16xf32>,
    %swap3A_1128 = vector.shape_cast %swap3A_1127 : vector<16xf32> to vector<16xf32>
    %swap3A_1129 = vector.shape_cast %get3A_1125 : vector<16xf32> to vector<16xf32>
    tpu.vector_store %arg7[%swap3A_1126], %swap3A_1129 {strides = array<i32>} : memref<144xf32, #tpu.memory_space<vmem>>, vector<16xf32>,
    %slice3A_1130 = vector.extract_strided_slice %get3A_1030 {offsets = [11], sizes = [1], strides = [1]} : vector<16xi32> to vector<1xi32>
    %squeeze3A_1131 = vector.extract %slice3A_1130[0] : i32 from vector<1xi32>
    %get3A_1132 = arith.index_cast %squeeze3A_1131 : i32 to index
    %get3A_1133 = tpu.vector_load %arg5[%get3A_1132] {strides = array<i32>} : memref<4112xf32, #tpu.memory_space<vmem>>, vector<16xf32>,
    %get3A_1134 = vector.shape_cast %get3A_1133 : vector<16xf32> to vector<16xf32>
    %swap3A_1135 = arith.constant 123 : index
    %swap3A_1136 = tpu.vector_load %arg7[%swap3A_1135] {strides = array<i32>} : memref<144xf32, #tpu.memory_space<vmem>>, vector<16xf32>,
    %swap3A_1137 = vector.shape_cast %swap3A_1136 : vector<16xf32> to vector<16xf32>
    %swap3A_1138 = vector.shape_cast %get3A_1134 : vector<16xf32> to vector<16xf32>
    tpu.vector_store %arg7[%swap3A_1135], %swap3A_1138 {strides = array<i32>} : memref<144xf32, #tpu.memory_space<vmem>>, vector<16xf32>,
    %slice3A_1139 = vector.extract_strided_slice %get3A_1030 {offsets = [12], sizes = [1], strides = [1]} : vector<16xi32> to vector<1xi32>
    %squeeze3A_1140 = vector.extract %slice3A_1139[0] : i32 from vector<1xi32>
    %get3A_1141 = arith.index_cast %squeeze3A_1140 : i32 to index
    %get3A_1142 = tpu.vector_load %arg5[%get3A_1141] {strides = array<i32>} : memref<4112xf32, #tpu.memory_space<vmem>>, vector<16xf32>,
    %get3A_1143 = vector.shape_cast %get3A_1142 : vector<16xf32> to vector<16xf32>
    %swap3A_1144 = arith.constant 124 : index
    %swap3A_1145 = tpu.vector_load %arg7[%swap3A_1144] {strides = array<i32>} : memref<144xf32, #tpu.memory_space<vmem>>, vector<16xf32>,
    %swap3A_1146 = vector.shape_cast %swap3A_1145 : vector<16xf32> to vector<16xf32>
    %swap3A_1147 = vector.shape_cast %get3A_1143 : vector<16xf32> to vector<16xf32>
    tpu.vector_store %arg7[%swap3A_1144], %swap3A_1147 {strides = array<i32>} : memref<144xf32, #tpu.memory_space<vmem>>, vector<16xf32>,
    %slice3A_1148 = vector.extract_strided_slice %get3A_1030 {offsets = [13], sizes = [1], strides = [1]} : vector<16xi32> to vector<1xi32>
    %squeeze3A_1149 = vector.extract %slice3A_1148[0] : i32 from vector<1xi32>
    %get3A_1150 = arith.index_cast %squeeze3A_1149 : i32 to index
    %get3A_1151 = tpu.vector_load %arg5[%get3A_1150] {strides = array<i32>} : memref<4112xf32, #tpu.memory_space<vmem>>, vector<16xf32>,
    %get3A_1152 = vector.shape_cast %get3A_1151 : vector<16xf32> to vector<16xf32>
    %swap3A_1153 = arith.constant 125 : index
    %swap3A_1154 = tpu.vector_load %arg7[%swap3A_1153] {strides = array<i32>} : memref<144xf32, #tpu.memory_space<vmem>>, vector<16xf32>,
    %swap3A_1155 = vector.shape_cast %swap3A_1154 : vector<16xf32> to vector<16xf32>
    %swap3A_1156 = vector.shape_cast %get3A_1152 : vector<16xf32> to vector<16xf32>
    tpu.vector_store %arg7[%swap3A_1153], %swap3A_1156 {strides = array<i32>} : memref<144xf32, #tpu.memory_space<vmem>>, vector<16xf32>,
    %slice3A_1157 = vector.extract_strided_slice %get3A_1030 {offsets = [14], sizes = [1], strides = [1]} : vector<16xi32> to vector<1xi32>
    %squeeze3A_1158 = vector.extract %slice3A_1157[0] : i32 from vector<1xi32>
    %get3A_1159 = arith.index_cast %squeeze3A_1158 : i32 to index
    %get3A_1160 = tpu.vector_load %arg5[%get3A_1159] {strides = array<i32>} : memref<4112xf32, #tpu.memory_space<vmem>>, vector<16xf32>,
    %get3A_1161 = vector.shape_cast %get3A_1160 : vector<16xf32> to vector<16xf32>
    %swap3A_1162 = arith.constant 126 : index
    %swap3A_1163 = tpu.vector_load %arg7[%swap3A_1162] {strides = array<i32>} : memref<144xf32, #tpu.memory_space<vmem>>, vector<16xf32>,
    %swap3A_1164 = vector.shape_cast %swap3A_1163 : vector<16xf32> to vector<16xf32>
    %swap3A_1165 = vector.shape_cast %get3A_1161 : vector<16xf32> to vector<16xf32>
    tpu.vector_store %arg7[%swap3A_1162], %swap3A_1165 {strides = array<i32>} : memref<144xf32, #tpu.memory_space<vmem>>, vector<16xf32>,
    %slice3A_1166 = vector.extract_strided_slice %get3A_1030 {offsets = [15], sizes = [1], strides = [1]} : vector<16xi32> to vector<1xi32>
    %squeeze3A_1167 = vector.extract %slice3A_1166[0] : i32 from vector<1xi32>
    %get3A_1168 = arith.index_cast %squeeze3A_1167 : i32 to index
    %get3A_1169 = tpu.vector_load %arg5[%get3A_1168] {strides = array<i32>} : memref<4112xf32, #tpu.memory_space<vmem>>, vector<16xf32>,
    %get3A_1170 = vector.shape_cast %get3A_1169 : vector<16xf32> to vector<16xf32>
    %swap3A_1171 = arith.constant 127 : index
    %swap3A_1172 = tpu.vector_load %arg7[%swap3A_1171] {strides = array<i32>} : memref<144xf32, #tpu.memory_space<vmem>>, vector<16xf32>,
    %swap3A_1173 = vector.shape_cast %swap3A_1172 : vector<16xf32> to vector<16xf32>
    %swap3A_1174 = vector.shape_cast %get3A_1170 : vector<16xf32> to vector<16xf32>
    tpu.vector_store %arg7[%swap3A_1171], %swap3A_1174 {strides = array<i32>} : memref<144xf32, #tpu.memory_space<vmem>>, vector<16xf32>,
    "tpu.region"() ({
      %run_scoped3A = tpu.sem_alloc : memref<!tpu.dma_semaphore, #tpu.memory_space<semaphore_mem>>
      %dma_start3A = arith.constant 0 : i32
      %dma_start3A_1175 = tpu.memref_slice %arg7[%dma_start3A] : memref<144xf32, #tpu.memory_space<vmem>> -> memref<128xf32, #tpu.memory_space<vmem>>
      %dma_start3A_1176 = tpu.memref_slice %arg4[%mul3A_2] : memref<4096xf32, #tpu.memory_space<hbm>> -> memref<128xf32, #tpu.memory_space<hbm>>
      %dma_start3A_1177 = tpu.memref_slice %arg4[%mul3A_2] : memref<4096xf32, #tpu.memory_space<hbm>> -> memref<128xf32, #tpu.memory_space<hbm>>
      %dma_start3A_1178 = arith.constant 0 : i32
      %dma_start3A_1179 = tpu.memref_slice %arg7[%dma_start3A_1178] : memref<144xf32, #tpu.memory_space<vmem>> -> memref<128xf32, #tpu.memory_space<vmem>>
      tpu.enqueue_dma source(%dma_start3A_1179 : memref<128xf32, #tpu.memory_space<vmem>>) target(%dma_start3A_1177 : memref<128xf32, #tpu.memory_space<hbm>>) target_semaphore(%run_scoped3A : memref<!tpu.dma_semaphore, #tpu.memory_space<semaphore_mem>>)
      %dma_wait3A = arith.constant 0 : i32
      %dma_wait3A_1180 = tpu.memref_slice %arg7[%dma_wait3A] : memref<144xf32, #tpu.memory_space<vmem>> -> memref<128xf32, #tpu.memory_space<vmem>>
      %dma_wait3A_1181 = tpu.memref_slice %arg4[%mul3A_2] : memref<4096xf32, #tpu.memory_space<hbm>> -> memref<128xf32, #tpu.memory_space<hbm>>
      %dma_wait3A_1182 = tpu.memref_slice %arg4[%mul3A_2] : memref<4096xf32, #tpu.memory_space<hbm>> -> memref<128xf32, #tpu.memory_space<hbm>>
      %dma_wait3A_1183 = arith.constant 0 : i32
      %dma_wait3A_1184 = tpu.memref_slice %arg7[%dma_wait3A_1183] : memref<144xf32, #tpu.memory_space<vmem>> -> memref<128xf32, #tpu.memory_space<vmem>>
      tpu.wait_dma2 semaphore(%run_scoped3A : memref<!tpu.dma_semaphore, #tpu.memory_space<semaphore_mem>>) src(%dma_wait3A_1184 : memref<128xf32, #tpu.memory_space<vmem>>) dst(%dma_wait3A_1182 : memref<128xf32, #tpu.memory_space<hbm>>)
      tpu.yield
    }) : () -> ()
    return
  }
}

module attributes {stable_mosaic.version = 14 : i64} {
  func.func @_add_kernel(%arg0: i32, %arg1: i32, %arg2: memref<1x2048x1024xf32, #tpu.memory_space<vmem>>, %arg3: memref<2048x1xf32, #tpu.memory_space<vmem>>, %arg4: memref<1x2048x1024xf32, #tpu.memory_space<vmem>>) attributes {dimension_semantics = [#tpu.dimension_semantics<parallel>, #tpu.dimension_semantics<parallel>], iteration_bounds = array<i64: 4, 2>, scalar_prefetch = 0 : i64, scratch_operands = 0 : i64, tpu.core_type = #tpu.core_type<tc>, window_params = [{transform_indices = @transform_0, window_bounds = array<i64: 1, 2048, 1024>}, {transform_indices = @transform_1, window_bounds = array<i64: 2048, 1>}, {transform_indices = @transform_2, window_bounds = array<i64: 1, 2048, 1024>}]} {
    %get3A = arith.constant 0 : index
    %get3A_0 = arith.constant 0 : index
    %get3A_1 = arith.constant 0 : index
    %get3A_2 = vector.load %arg2[%get3A, %get3A_0, %get3A_1] : memref<1x2048x1024xf32, #tpu.memory_space<vmem>>, vector<1x2048x1024xf32>
    %get3A_3 = arith.constant 0 : index
    %get3A_4 = arith.constant 0 : index
    %get3A_5 = vector.load %arg3[%get3A_3, %get3A_4] : memref<2048x1xf32, #tpu.memory_space<vmem>>, vector<2048x1xf32>
    %broadcast_in_dim3A = vector.shape_cast %get3A_5 : vector<2048x1xf32> to vector<1x2048x1xf32>
    %add3A = vector.broadcast %broadcast_in_dim3A : vector<1x2048x1xf32> to vector<1x2048x1024xf32>
    %add3A_6 = arith.addf %get3A_2, %add3A : vector<1x2048x1024xf32>
    %swap3A = arith.constant 0 : index
    %swap3A_7 = arith.constant 0 : index
    %swap3A_8 = arith.constant 0 : index
    %swap3A_9 = vector.load %arg4[%swap3A, %swap3A_7, %swap3A_8] : memref<1x2048x1024xf32, #tpu.memory_space<vmem>>, vector<1x2048x1024xf32>
    tpu.vector_store %arg4[%swap3A, %swap3A_7, %swap3A_8], %add3A_6 {strides = array<i32>} : memref<1x2048x1024xf32, #tpu.memory_space<vmem>>, vector<1x2048x1024xf32>,
    return
  }
  func.func @transform_0(%arg0: i32, %arg1: i32) -> (i32, i32, i32) {
    %c0_i32 = arith.constant 0 : i32
    %c0_i32_0 = arith.constant 0 : i32
    return %arg0, %arg1, %c0_i32 : i32, i32, i32
  }
  func.func @transform_1(%arg0: i32, %arg1: i32) -> (i32, i32) {
    %c0_i32 = arith.constant 0 : i32
    %c0_i32_0 = arith.constant 0 : i32
    return %arg1, %c0_i32 : i32, i32
  }
  func.func @transform_2(%arg0: i32, %arg1: i32) -> (i32, i32, i32) {
    %c0_i32 = arith.constant 0 : i32
    %c0_i32_0 = arith.constant 0 : i32
    return %arg0, %arg1, %c0_i32 : i32, i32, i32
  }
}

</mosaic_0001>

<sc_bundles>
// kernel: kernel.4.cloned.1.call-start
scs
__scs_entry_jumppad:
0x0: {  	(pc) =	sbr.rel $0x88, $3  }
0x1: {  	(tag) =	ssettag $0x0;
	lr =	simm.s32 $0x1  }
0x2: {  	[smem:$0x3F9E] =	sst lr;
	_ =	strace $0xD0000000  }
0x3: {  	_ = 	snop  }
0x4: {  	_ = 	snop  }
0x5: {  	_ = 	snop  }
0x6: {  	_ = 	snop  }
0x7: {  	_ = 	snop  }
__scs_overlays_trampoline_lowered:
0x8: {  	[smem:$0x3FAD] =	sst s0  }
0x9: {  	[smem:$0x3FAE] =	sst s1  }
0xa: {  	[smem:$0x3FAF] =	sst s2  }
0xb: {  	[smem:$0x3FB0] =	sst s3  }
0xc: {  	[smem:$0x3FB1] =	sst s4  }
0xd: {  	[smem:$0x3FB2] =	sst s5  }
0xe: {  	[smem:$0x3FB3] =	sst s6  }
0xf: {  	[smem:$0x3FB4] =	sst s7  }
0x10: {  	[smem:$0x3FB5] =	sst s8  }
0x11: {  	[smem:$0x3FB6] =	sst s9;
	s0 =	simm.s32 @!p0 $0x0  }
0x12: {  	s1 =	sld [smem:$0x3F9C];
	s0 =	simm.s32 @p0 $0x1  }
0x13: {  	[smem:$0x3FB7] =	sst s0;
	s0 =	simm.s32 @!p1 $0x0  }
0x14: {  	s2 =	sld [smem:$0x3F9B];
	s0 =	simm.s32 @p1 $0x1  }
0x15: {  	[smem:$0x3FB8] =	sst s0;
	s0 =	simm.s32 @!p2 $0x0  }
0x16: {  	s3 =	sld [smem:$0x3FDB];
	s0 =	simm.s32 @p2 $0x1  }
0x17: {  	s4 =	simm.s32 $0x1BF5;
	[smem:$0x3FBA] =	sst s0  }
0x18: {  	s0 =	sld [smem:$0x3F9D];
	_ =	swait.ge [sflag:s4], $0x0  }
0x19: {  	s7 =	sld [smem:$0x3F9E]  }
0x1a: {  	s8 =	sadd.s32 $0xFFFFE003, lr  }
0x1b: {  	s9 =	sadd.s32 $0xFFFFFEF7, lr;
	s5 =	simm.s32 $0xFFFFFFFF;
	p2 =	slt.u32 s8, $0xFFFFF086  }
0x1c: {  	p1 =	slt.u32 s9, $0xF7A;
	s5 =	simm.s32 @!p2 $0x0  }
0x1d: {  	s5 =	simm.s32 @p1 $0x1;
	p0 =	seq.s32 s7, s2  }
0x1e: {  	s7 =	smul.u32 @!p0 $0xF7A, s2;
	p2 =	seq.s32 @!p0 s5, $0x0  }
0x1f: {  	s9 =	smul.u32 $0xF7A, s1;
	s8 =	simm.s32 @!p0 $0x1BF5;
	p2 =	por !p2, p0  }
0x20: {  	[sflag:s8] =	ssyncset.s32 @!p0 $0xFFFFF086;
	s6 =	sadd.s32 @!p0 s3, s7;
	s7 =	simm.s32 @!p0 $0x108  }
0x21: {  	s3 =	sadd.s32 s3, s9;
	s6 =	sadd.s32 @!p0 $0x88, s6;
	s7 =	simm.s32 @p2 $0x1082  }
0x22: {  	[simem:s7], [sflag:s8] =	dma.local @!p0 [hbm:s6], $0xF7A  }
0x23: {  	s9 =	sor.u32 $0xD0000000, s2;
	s6 =	simm.s32 $0x108;
	_ =	swait.ge @!p0 [sflag:s8], $0x0  }
0x24: {  	s3 =	sadd.s32 $0x88, s3;
	s6 =	simm.s32 @!p1 $0x1082;
	[sflag:s4] =	ssyncset.s32 $0xFFFFF086  }
0x25: {  	[simem:s6], [sflag:s4] =	dma.local [hbm:s3], $0xF7A  }
0x26: {  	[smem:$0x3F9E] =	sst s1;
	(tag) =	ssettag s2;
	_ =	strace s9  }
0x27: {  	s1 =	sld [smem:$0x3FAE]  }
0x28: {  	s2 =	sld [smem:$0x3FAF]  }
0x29: {  	s4 =	sld [smem:$0x3FB1]  }
0x2a: {  	p0 =	seq.s32 s5, $0x0;
	s5 =	sld [smem:$0x3FB2]  }
0x2b: {  	s6 =	sld [smem:$0x3FB3]  }
0x2c: {  	s7 =	sld [smem:$0x3FB4]  }
0x2d: {  	s3 =	simm.s32 $0x108;
	s8 =	sld [smem:$0x3FB5]  }
0x2e: {  	s3 =	simm.s32 @!p0 $0x1082;
	s9 =	sld [smem:$0x3FB6]  }
0x2f: {  	lr =	sadd.s32 s0, s3;
	s0 =	sld [smem:$0x3FAD]  }
0x30: {  	s3 =	sld [smem:$0x3FB0]  }
0x31: {  	[smem:$0x3FB9] =	sst s10  }
0x32: {  	s10 =	sld [smem:$0x3FB7];
	_ =	sdelay $0x3  }
0x33: {  	p0 =	seq.s32 s10, $0x1;
	s10 =	sld [smem:$0x3FB9];
	_ =	sdelay $0x3  }
0x34: {  	[smem:$0x3FB9] =	sst s10  }
0x35: {  	s10 =	sld [smem:$0x3FB8];
	_ =	sdelay $0x3  }
0x36: {  	p1 =	seq.s32 s10, $0x1;
	s10 =	sld [smem:$0x3FB9];
	_ =	sdelay $0x3  }
0x37: {  	[smem:$0x3FB9] =	sst s10  }
0x38: {  	s10 =	sld [smem:$0x3FBA]  }
0x39: {  	_ = 	snop;
	(pc) =	sbr.ind lr, $3  }
0x3a: {  	_ = 	snop  }
0x3b: {  	_ = 	snop  }
0x3c: {  	p2 =	seq.s32 s10, $0x1;
	s10 =	sld [smem:$0x3FB9]  }
0x3d: {  	_ =	shalt  }
0x3e: {  	_ =	shalt  }
0x3f: {  	_ =	shalt  }
0x40: {  	_ =	shalt  }
0x41: {  	_ =	shalt  }
0x42: {  	_ =	shalt  }
0x43: {  	_ =	shalt  }
0x44: {  	_ =	shalt  }
0x45: {  	_ =	shalt  }
0x46: {  	_ =	shalt  }
0x47: {  	_ =	shalt  }
0x48: {  	_ =	shalt  }
0x49: {  	_ =	shalt  }
0x4a: {  	_ =	shalt  }
0x4b: {  	_ =	shalt  }
0x4c: {  	_ =	shalt  }
0x4d: {  	_ =	shalt  }
0x4e: {  	_ =	shalt  }
0x4f: {  	_ =	shalt  }
0x50: {  	_ =	shalt  }
0x51: {  	_ =	shalt  }
0x52: {  	_ =	shalt  }
0x53: {  	_ =	shalt  }
0x54: {  	_ =	shalt  }
0x55: {  	_ =	shalt  }
0x56: {  	_ =	shalt  }
0x57: {  	_ =	shalt  }
0x58: {  	_ =	shalt  }
0x59: {  	_ =	shalt  }
0x5a: {  	_ =	shalt  }
0x5b: {  	_ =	shalt  }
0x5c: {  	_ =	shalt  }
0x5d: {  	_ =	shalt  }
0x5e: {  	_ =	shalt  }
0x5f: {  	_ =	shalt  }
0x60: {  	_ =	shalt  }
0x61: {  	_ =	shalt  }
0x62: {  	_ =	shalt  }
0x63: {  	_ =	shalt  }
0x64: {  	_ =	shalt  }
0x65: {  	_ =	shalt  }
0x66: {  	_ =	shalt  }
0x67: {  	_ =	shalt  }
0x68: {  	_ =	shalt  }
0x69: {  	_ =	shalt  }
0x6a: {  	_ =	shalt  }
0x6b: {  	_ =	shalt  }
0x6c: {  	_ =	shalt  }
0x6d: {  	_ =	shalt  }
0x6e: {  	_ =	shalt  }
0x6f: {  	_ =	shalt  }
0x70: {  	_ =	shalt  }
0x71: {  	_ =	shalt  }
0x72: {  	_ =	shalt  }
0x73: {  	_ =	shalt  }
0x74: {  	_ =	shalt  }
0x75: {  	_ =	shalt  }
0x76: {  	_ =	shalt  }
0x77: {  	_ =	shalt  }
0x78: {  	_ =	shalt  }
0x79: {  	_ =	shalt  }
0x7a: {  	_ =	shalt  }
0x7b: {  	_ =	shalt  }
0x7c: {  	_ =	shalt  }
0x7d: {  	_ =	shalt  }
0x7e: {  	_ =	shalt  }
0x7f: {  	_ =	shalt  }
0x80: {  	_ =	shalt  }
0x81: {  	_ =	shalt  }
0x82: {  	_ =	shalt  }
0x83: {  	_ =	shalt  }
0x84: {  	_ =	shalt  }
0x85: {  	_ =	shalt  }
0x86: {  	_ =	shalt  }
0x87: {  	_ =	shalt  }
.Lfunc_end0:
.L_simem_size_0:
called_computation_lowered:
.L_overlay_start_0:
0x88: {  	s2 =	sld [smem:$0x3FD9]  }
0x89: {  	s3 =	sld [smem:$0x3FFE];
	_ =	sdelay $0x1  }
0x8a: {  	s1 =	srdreg.scid  }
0x8b: {  	s0 =	sand.u32 $0x1, s1  }
0x8c: {  	s18 =	sshll.u32 s0, $0xA;
	s2 =	sadd.s32 s3, s2  }
0x8d: {  	s2 =	sadd.s32 s2, s18  }
0x8e: {  	[smem:$0x3FC5] =	sst s2  }
0x8f: {  	_ = 	snop  }
0x90: {  	s2 =	sld [smem:$0x3FC8]  }
0x91: {  	s19 =	sld [smem:$0x3FC7]  }
0x92: {  	s4 =	sld [smem:$0x3FD0];
	(tm) =	ssettm $0x1  }
0x93: {  	s5 =	sld [smem:$0x3FFB];
	_ =	sdelay $0x3  }
0x94: {  	_ =	strace s5  }
0x95: {  	s5 =	sld [smem:$0x3FFC];
	_ =	sdelay $0x3  }
0x96: {  	_ =	strace s5  }
0x97: {  	s5 =	sld [smem:$0x3FFD];
	_ =	sdelay $0x3  }
0x98: {  	_ =	strace s5  }
0x99: {  	_ =	strace $0x8FFFFFFF  }
0x9a: {  	s20 =	sld [smem:$0x3FDB];
	_ =	sdelay $0x1  }
0x9b: {  	s6 =	simm.s32 $_scs_section_size  }
0x9c: {  	s7 =	simm.s32 $_size__tile_overlayer_lowered;
	s8 =	simm.s32 $_tile_overlayer_lowered  }
0x9d: {  	s23 =	simm.s32 $0x1BFF;
	s22 =	sshll.u32 s8, $0x1;
	s5 =	sadd.s32 s6, s20  }
0x9e: {  	s9 =	simm.s32 $0x0;
	s21 =	sshll.u32 s7, $0x1;
	s7 =	sadd.s32 s22, s5  }
0x9f: {  	[timem:s9], [sflag:s23] =	dma.local [hbm:s7], s21  }
0xa0: {  	_ =	swait.ge [sflag:s23], s21  }
0xa1: {  	s6 =	ssub.s32 $0x0, s21;
	[sflag:s23] =	ssyncset.done $0x0  }
0xa2: {  	[sflag:s23] =	ssyncadd.s32 s6;
	_ =	sdelay $0x1  }
0xa3: {  	s24 =	simm.s32 $0x1B8B  }
0xa4: {  	_ =	swait.ge [sflag:s24], $0x1  }
0xa5: {  	[sflag:s24] =	ssyncset.done $0x0  }
0xa6: {  	s25 =	simm.s32 $0x1B8E;
	[sflag:s24] =	ssyncadd.s32 $0xFFFFFFFF  }
0xa7: {  	s26 =	simm.s32 $execute0_lowered;
	[smem:$0x3FD2] =	sst s25  }
0xa8: {  	s6 =	sshll.u32 s26, $0x1;
	_ =	strace $0x80000046;
	[dreg:$0x1] =	wrdreg $0xFFFFFFFF  }
0xa9: {  	s28 =	simm.s32 $_size_execute0_lowered;
	s5 =	sadd.s32 s5, s6;
	[dreg:$0x0] =	wrdreg $0x0  }
0xaa: {  	s6 =	sshll.u32 s28, $0x1;
	[dreg:$0x2] =	wrdreg s5  }
0xab: {  	[dreg:$0x3] =	wrdreg s6  }
0xac: {  	[dreg:$0x4] =	wrdreg $0xC0  }
0xad: {  	_ =	task [dreg:s9], $0x5FFFF  }
0xae: {  	[dreg:$0x1] =	wrdreg $0xFFFFFFFF  }
0xaf: {  	[dreg:$0x0] =	wrdreg $0x60  }
0xb0: {  	[dreg:$0x2] =	wrdreg s2  }
0xb1: {  	[dreg:$0x3] =	wrdreg s19  }
0xb2: {  	[dreg:$0x4] =	wrdreg s4  }
0xb3: {  	[dreg:$0x5] =	wrdreg $0x9  }
0xb4: {  	_ =	task.clear_ibuf [dreg:s9], $0x6FFFF;
	_ =	strace $0x90000046  }
0xb5: {  	s29 =	simm.s32 $0x9;
	_ =	strace $0x80000048  }
0xb6: {  	_ =	swait.ge [sflag:s29], $0x1  }
0xb7: {  	[sflag:s29] =	ssyncadd.s32 $0xFFFFFFFF  }
0xb8: {  	_ =	strace $0x90000048  }
0xb9: {  	_ =	sfence  }
0xba: {  	s30 =	sld [smem:$0x0];
	_ =	sdelay $0x2  }
0xbb: {  	s31 =	sshll.u32 s1, $0xD;
	s1 =	sshrl.u32 s1, $0x2  }
0xbc: {  	s3 =	sand.u32 $0x4000, s31;
	s1 =	sadd.s32 s1, s30  }
0xbd: {  	s0 =	sor.u32 s3, s0;
	s1 =	sshll.u32 s1, $0x11  }
0xbe: {  	s0 =	sor.u32 s1, s0  }
0xbf: {  	s0 =	sadd.s32 $0x8F2B, s0  }
0xc0: {  	[sflag:s0] =	ssyncadd.remote.s32 $0x1  }
0xc1: {  	_ =	sfence.sel $0xFFFF  }
0xc2: {  	[dreg:$0x0] =	wrdreg $0xFFFFFFFF;
	(pc) =	sbr.abs _section_cstart, $3  }
0xc3: {  	[dreg:$0x1] =	wrdreg $0xFFFFFFFF  }
0xc4: {  	_ =	task.clear_ibuf [dreg:s9], $0x2FFFF;
	_ =	strace $0x9FFFFFFF  }
0xc5: {  	(tm) =	ssettm $0x7FFFFFFF  }
tec
execute0_lowered:
.L_overlay_start_1:
0x0: {  	(tag) =	ssettag $0x1  }
0x1: {  	s0 =	rddreg [dreg:$0x0]  }
0x2: {  	s3 =	rddreg [dreg:$0x1]  }
0x3: {  	s4 =	rddreg [dreg:$0x2];
	s2 =	srdreg.scid  }
0x4: {  	s1 =	stileid.u32;
	[dreg:$0x4] =	wrdreg s0  }
0x5: {  	s30 =	simm.s32 $0x1080;
	s31 =	simm.s32 $0x1100;
	s0 =	rddreg [dreg:$0x3]  }
0x6: {  	s5 =	sand.u32 $0x1, s2;
	s2 =	simm.s32 $0x0;
	s6 =	sshll.u32 s1, $0x5  }
0x7: {  	s7 =	sshll.u32 s5, $0x4;
	[smem:$0x7FF] =	sst s2;
	s5 =	ssub.s32 $0x2, s5  }
0x8: {  	s6 =	sor.u32 s7, s6;
	_ =	strace $0x80000047;
	[dreg:$0x5] =	wrdreg s30  }
0x9: {  	s29 =	sshrl.u32 s5, $0x1;
	[dreg:$0x8] =	wrdreg s31;
	s3 =	sadd.s32 s3, s6  }
0xa: {  	s28 =	sadd.s32 s4, s6;
	s4 =	ssub.s32 s5, s29;
	[dreg:$0x6] =	wrdreg s3  }
0xb: {  	[dreg:$0x7] =	wrdreg s28;
	s3 =	smax.u32 s4, $0x1;
	s4 =	simm.s32 $0x1  }
.LBB2_1:
0xc: {  	s5 =	rddreg [dreg:$0x4]  }
0xd: {  	[tilespmem:s2], [sflag:$0x1] =	stream.linear.gather [hbm4b:s5+s2], $0x1000, $0x38;
	[tilespmem:$0x1200] =	vst v63  }
0xe: {  	_ =	swait.ge [sflag:s4], $0x1000  }
0xf: {  	s25 =	rddreg [dreg:$0x5];
	[sflag:s4] =	ssyncset.done $0x0  }
0x10: {  	s6 =	rddreg [dreg:$0x6];
	[sflag:s4] =	ssyncadd.s32 $0xFFFFF000  }
0x11: {  	[tilespmem:s25], [sflag:$0x1] =	stream.linear.gather [hbm4b:s6+s2], $0x80, $0x38;
	[tilespmem:$0x1200] =	vst v63  }
0x12: {  	_ =	swait.ge [sflag:s4], $0x80  }
0x13: {  	[sflag:s4] =	ssyncset.done $0x0  }
0x14: {  	[sflag:s4] =	ssyncadd.s32 $0xFFFFFF80  }
0x15: {  	v0 =	vld [tilespmem:$0x1080];
	_ =	sdelay $0x4  }
0x16: {  	(v2sf) =	vpush v0, $0x0;
	_ =	sdelay $0x5  }
0x17: {  	(v2sf) =	vpush v0, $0x1;
	_ =	sdelay $0x5  }
0x18: {  	(v2sf) =	vpush v0, $0x2;
	_ =	sdelay $0x2  }
0x19: {  	s26 =	spop (v2sf)  }
0x1a: {  	v1 =	vld [tilespmem:s26+$0x0];
	_ =	sdelay $0x1  }
0x1b: {  	(v2sf) =	vpush v0, $0x3;
	_ =	sdelay $0x2  }
0x1c: {  	s28 =	spop (v2sf);
	[tilespmem:$0x1100] =	vst v1  }
0x1d: {  	v1 =	vld [tilespmem:s28+$0x0];
	_ =	sdelay $0x1  }
0x1e: {  	(v2sf) =	vpush v0, $0x4;
	_ =	sdelay $0x2  }
0x1f: {  	s29 =	spop (v2sf);
	[tilespmem:$0x1101] =	vst v1  }
0x20: {  	v1 =	vld [tilespmem:s29+$0x0];
	_ =	sdelay $0x1  }
0x21: {  	(v2sf) =	vpush v0, $0x5;
	_ =	sdelay $0x2  }
0x22: {  	s30 =	spop (v2sf);
	[tilespmem:$0x1102] =	vst v1  }
0x23: {  	v1 =	vld [tilespmem:s30+$0x0];
	_ =	sdelay $0x4  }
0x24: {  	s31 =	spop (v2sf);
	[tilespmem:$0x1103] =	vst v1  }
0x25: {  	v1 =	vld [tilespmem:s31+$0x0];
	_ =	sdelay $0x4  }
0x26: {  	s6 =	spop (v2sf);
	[tilespmem:$0x1104] =	vst v1  }
0x27: {  	v1 =	vld [tilespmem:s6+$0x0];
	_ =	sdelay $0x4  }
0x28: {  	[tilespmem:$0x1105] =	vst v1  }
0x29: {  	(v2sf) =	vpush v0, $0x6;
	_ =	sdelay $0x5  }
0x2a: {  	(v2sf) =	vpush v0, $0x7;
	_ =	sdelay $0x5  }
0x2b: {  	(v2sf) =	vpush v0, $0x8;
	_ =	sdelay $0x2  }
0x2c: {  	s7 =	spop (v2sf)  }
0x2d: {  	v55 =	vld [tilespmem:s7+$0x0];
	_ =	sdelay $0x1  }
0x2e: {  	(v2sf) =	vpush v0, $0x9;
	_ =	sdelay $0x2  }
0x2f: {  	s8 =	spop (v2sf);
	[tilespmem:$0x1106] =	vst v55  }
0x30: {  	v1 =	vld [tilespmem:s8+$0x0];
	_ =	sdelay $0x1  }
0x31: {  	(v2sf) =	vpush v0, $0xA;
	_ =	sdelay $0x2  }
0x32: {  	s9 =	spop (v2sf);
	[tilespmem:$0x1107] =	vst v1  }
0x33: {  	v1 =	vld [tilespmem:s9+$0x0];
	_ =	sdelay $0x1  }
0x34: {  	(v2sf) =	vpush v0, $0xB;
	_ =	sdelay $0x2  }
0x35: {  	s10 =	spop (v2sf);
	[tilespmem:$0x1108] =	vst v1  }
0x36: {  	v1 =	vld [tilespmem:s10+$0x0];
	_ =	sdelay $0x1  }
0x37: {  	(v2sf) =	vpush v0, $0xC;
	_ =	sdelay $0x2  }
0x38: {  	s11 =	spop (v2sf);
	[tilespmem:$0x1109] =	vst v1  }
0x39: {  	v1 =	vld [tilespmem:s11+$0x0];
	_ =	sdelay $0x1  }
0x3a: {  	(v2sf) =	vpush v0, $0xD;
	_ =	sdelay $0x2  }
0x3b: {  	s12 =	spop (v2sf);
	[tilespmem:$0x110A] =	vst v1  }
0x3c: {  	v1 =	vld [tilespmem:s12+$0x0];
	_ =	sdelay $0x1  }
0x3d: {  	(v2sf) =	vpush v0, $0xE;
	_ =	sdelay $0x2  }
0x3e: {  	s13 =	spop (v2sf);
	[tilespmem:$0x110B] =	vst v1  }
0x3f: {  	v1 =	vld [tilespmem:s13+$0x0];
	_ =	sdelay $0x1  }
0x40: {  	(v2sf) =	vpush v0, $0xF  }
0x41: {  	v56 =	vld [tilespmem:$0x1090];
	_ =	sdelay $0x1  }
0x42: {  	s14 =	spop (v2sf);
	[tilespmem:$0x110C] =	vst v1  }
0x43: {  	v1 =	vld [tilespmem:s14+$0x0];
	_ =	sdelay $0x1  }
0x44: {  	(v2sf) =	vpush v56, $0x0;
	_ =	sdelay $0x2  }
0x45: {  	s15 =	spop (v2sf);
	[tilespmem:$0x110D] =	vst v1  }
0x46: {  	v1 =	vld [tilespmem:s15+$0x0];
	_ =	sdelay $0x1  }
0x47: {  	(v2sf) =	vpush v56, $0x1;
	_ =	sdelay $0x2  }
0x48: {  	s16 =	spop (v2sf);
	[tilespmem:$0x110E] =	vst v1  }
0x49: {  	v1 =	vld [tilespmem:s16+$0x0];
	_ =	sdelay $0x1  }
0x4a: {  	(v2sf) =	vpush v56, $0x2;
	_ =	sdelay $0x2  }
0x4b: {  	s17 =	spop (v2sf);
	[tilespmem:$0x110F] =	vst v1  }
0x4c: {  	v1 =	vld [tilespmem:s17+$0x0];
	_ =	sdelay $0x1  }
0x4d: {  	(v2sf) =	vpush v56, $0x3;
	_ =	sdelay $0x2  }
0x4e: {  	s18 =	spop (v2sf);
	[tilespmem:$0x1110] =	vst v1  }
0x4f: {  	v1 =	vld [tilespmem:s18+$0x0];
	_ =	sdelay $0x1  }
0x50: {  	(v2sf) =	vpush v56, $0x4;
	_ =	sdelay $0x2  }
0x51: {  	s19 =	spop (v2sf);
	[tilespmem:$0x1111] =	vst v1  }
0x52: {  	v1 =	vld [tilespmem:s19+$0x0];
	_ =	sdelay $0x1  }
0x53: {  	(v2sf) =	vpush v56, $0x5;
	_ =	sdelay $0x2  }
0x54: {  	s20 =	spop (v2sf);
	[tilespmem:$0x1112] =	vst v1  }
0x55: {  	v1 =	vld [tilespmem:s20+$0x0];
	_ =	sdelay $0x1  }
0x56: {  	(v2sf) =	vpush v56, $0x6;
	_ =	sdelay $0x2  }
0x57: {  	s21 =	spop (v2sf);
	[tilespmem:$0x1113] =	vst v1  }
0x58: {  	v1 =	vld [tilespmem:s21+$0x0];
	_ =	sdelay $0x1  }
0x59: {  	(v2sf) =	vpush v56, $0x7;
	_ =	sdelay $0x2  }
0x5a: {  	s22 =	spop (v2sf);
	[tilespmem:$0x1114] =	vst v1  }
0x5b: {  	v1 =	vld [tilespmem:s22+$0x0];
	_ =	sdelay $0x1  }
0x5c: {  	(v2sf) =	vpush v56, $0x8;
	_ =	sdelay $0x2  }
0x5d: {  	s23 =	spop (v2sf);
	[tilespmem:$0x1115] =	vst v1  }
0x5e: {  	v1 =	vld [tilespmem:s23+$0x0];
	_ =	sdelay $0x1  }
0x5f: {  	(v2sf) =	vpush v56, $0x9;
	_ =	sdelay $0x2  }
0x60: {  	s24 =	spop (v2sf);
	[tilespmem:$0x1116] =	vst v1  }
0x61: {  	v1 =	vld [tilespmem:s24+$0x0];
	_ =	sdelay $0x1  }
0x62: {  	(v2sf) =	vpush v56, $0xA;
	_ =	sdelay $0x2  }
0x63: {  	s25 =	spop (v2sf);
	[tilespmem:$0x1117] =	vst v1  }
0x64: {  	v1 =	vld [tilespmem:s25+$0x0];
	_ =	sdelay $0x1  }
0x65: {  	(v2sf) =	vpush v56, $0xB;
	_ =	sdelay $0x2  }
0x66: {  	s26 =	spop (v2sf);
	[tilespmem:$0x1118] =	vst v1  }
0x67: {  	v1 =	vld [tilespmem:s26+$0x0];
	_ =	sdelay $0x1  }
0x68: {  	(v2sf) =	vpush v56, $0xC;
	_ =	sdelay $0x2  }
0x69: {  	s28 =	spop (v2sf);
	[tilespmem:$0x1119] =	vst v1  }
0x6a: {  	v1 =	vld [tilespmem:s28+$0x0];
	_ =	sdelay $0x1  }
0x6b: {  	(v2sf) =	vpush v56, $0xD;
	_ =	sdelay $0x2  }
0x6c: {  	s29 =	spop (v2sf);
	[tilespmem:$0x111A] =	vst v1  }
0x6d: {  	v1 =	vld [tilespmem:s29+$0x0];
	_ =	sdelay $0x1  }
0x6e: {  	(v2sf) =	vpush v56, $0xE;
	_ =	sdelay $0x2  }
0x6f: {  	s30 =	spop (v2sf);
	[tilespmem:$0x111B] =	vst v1  }
0x70: {  	v1 =	vld [tilespmem:s30+$0x0];
	_ =	sdelay $0x1  }
0x71: {  	(v2sf) =	vpush v56, $0xF  }
0x72: {  	v57 =	vld [tilespmem:$0x10A0];
	_ =	sdelay $0x1  }
0x73: {  	s31 =	spop (v2sf);
	[tilespmem:$0x111C] =	vst v1  }
0x74: {  	v1 =	vld [tilespmem:s31+$0x0];
	_ =	sdelay $0x1  }
0x75: {  	(v2sf) =	vpush v57, $0x0;
	_ =	sdelay $0x2  }
0x76: {  	s6 =	spop (v2sf);
	[tilespmem:$0x111D] =	vst v1  }
0x77: {  	v1 =	vld [tilespmem:s6+$0x0];
	_ =	sdelay $0x1  }
0x78: {  	(v2sf) =	vpush v57, $0x1;
	_ =	sdelay $0x2  }
0x79: {  	s7 =	spop (v2sf);
	[tilespmem:$0x111E] =	vst v1  }
0x7a: {  	v1 =	vld [tilespmem:s7+$0x0];
	_ =	sdelay $0x1  }
0x7b: {  	(v2sf) =	vpush v57, $0x2;
	_ =	sdelay $0x2  }
0x7c: {  	s8 =	spop (v2sf);
	[tilespmem:$0x111F] =	vst v1  }
0x7d: {  	v1 =	vld [tilespmem:s8+$0x0];
	_ =	sdelay $0x1  }
0x7e: {  	(v2sf) =	vpush v57, $0x3;
	_ =	sdelay $0x2  }
0x7f: {  	s9 =	spop (v2sf);
	[tilespmem:$0x1120] =	vst v1  }
0x80: {  	v1 =	vld [tilespmem:s9+$0x0];
	_ =	sdelay $0x1  }
0x81: {  	(v2sf) =	vpush v57, $0x4;
	_ =	sdelay $0x2  }
0x82: {  	s10 =	spop (v2sf);
	[tilespmem:$0x1121] =	vst v1  }
0x83: {  	v1 =	vld [tilespmem:s10+$0x0];
	_ =	sdelay $0x1  }
0x84: {  	(v2sf) =	vpush v57, $0x5;
	_ =	sdelay $0x2  }
0x85: {  	s11 =	spop (v2sf);
	[tilespmem:$0x1122] =	vst v1  }
0x86: {  	v1 =	vld [tilespmem:s11+$0x0];
	_ =	sdelay $0x1  }
0x87: {  	(v2sf) =	vpush v57, $0x6;
	_ =	sdelay $0x2  }
0x88: {  	s12 =	spop (v2sf);
	[tilespmem:$0x1123] =	vst v1  }
0x89: {  	v1 =	vld [tilespmem:s12+$0x0];
	_ =	sdelay $0x1  }
0x8a: {  	(v2sf) =	vpush v57, $0x7;
	_ =	sdelay $0x2  }
0x8b: {  	s13 =	spop (v2sf);
	[tilespmem:$0x1124] =	vst v1  }
0x8c: {  	v1 =	vld [tilespmem:s13+$0x0];
	_ =	sdelay $0x1  }
0x8d: {  	(v2sf) =	vpush v57, $0x8;
	_ =	sdelay $0x2  }
0x8e: {  	s14 =	spop (v2sf);
	[tilespmem:$0x1125] =	vst v1  }
0x8f: {  	v1 =	vld [tilespmem:s14+$0x0];
	_ =	sdelay $0x1  }
0x90: {  	(v2sf) =	vpush v57, $0x9;
	_ =	sdelay $0x2  }
0x91: {  	s15 =	spop (v2sf);
	[tilespmem:$0x1126] =	vst v1  }
0x92: {  	v1 =	vld [tilespmem:s15+$0x0];
	_ =	sdelay $0x1  }
0x93: {  	(v2sf) =	vpush v57, $0xA;
	_ =	sdelay $0x2  }
0x94: {  	s16 =	spop (v2sf);
	[tilespmem:$0x1127] =	vst v1  }
0x95: {  	v1 =	vld [tilespmem:s16+$0x0];
	_ =	sdelay $0x1  }
0x96: {  	(v2sf) =	vpush v57, $0xB;
	_ =	sdelay $0x2  }
0x97: {  	s17 =	spop (v2sf);
	[tilespmem:$0x1128] =	vst v1  }
0x98: {  	v1 =	vld [tilespmem:s17+$0x0];
	_ =	sdelay $0x1  }
0x99: {  	(v2sf) =	vpush v57, $0xC;
	_ =	sdelay $0x2  }
0x9a: {  	s18 =	spop (v2sf);
	[tilespmem:$0x1129] =	vst v1  }
0x9b: {  	v1 =	vld [tilespmem:s18+$0x0];
	_ =	sdelay $0x1  }
0x9c: {  	(v2sf) =	vpush v57, $0xD;
	_ =	sdelay $0x2  }
0x9d: {  	s19 =	spop (v2sf);
	[tilespmem:$0x112A] =	vst v1  }
0x9e: {  	v1 =	vld [tilespmem:s19+$0x0];
	_ =	sdelay $0x1  }
0x9f: {  	(v2sf) =	vpush v57, $0xE;
	_ =	sdelay $0x2  }
0xa0: {  	s20 =	spop (v2sf);
	[tilespmem:$0x112B] =	vst v1  }
0xa1: {  	v1 =	vld [tilespmem:s20+$0x0];
	_ =	sdelay $0x1  }
0xa2: {  	(v2sf) =	vpush v57, $0xF  }
0xa3: {  	v58 =	vld [tilespmem:$0x10B0];
	_ =	sdelay $0x1  }
0xa4: {  	s21 =	spop (v2sf);
	[tilespmem:$0x112C] =	vst v1  }
0xa5: {  	v1 =	vld [tilespmem:s21+$0x0];
	_ =	sdelay $0x1  }
0xa6: {  	(v2sf) =	vpush v58, $0x0;
	_ =	sdelay $0x2  }
0xa7: {  	s22 =	spop (v2sf);
	[tilespmem:$0x112D] =	vst v1  }
0xa8: {  	v1 =	vld [tilespmem:s22+$0x0];
	_ =	sdelay $0x1  }
0xa9: {  	(v2sf) =	vpush v58, $0x1;
	_ =	sdelay $0x2  }
0xaa: {  	s23 =	spop (v2sf);
	[tilespmem:$0x112E] =	vst v1  }
0xab: {  	v1 =	vld [tilespmem:s23+$0x0];
	_ =	sdelay $0x1  }
0xac: {  	(v2sf) =	vpush v58, $0x2;
	_ =	sdelay $0x2  }
0xad: {  	s24 =	spop (v2sf);
	[tilespmem:$0x112F] =	vst v1  }
0xae: {  	v1 =	vld [tilespmem:s24+$0x0];
	_ =	sdelay $0x1  }
0xaf: {  	(v2sf) =	vpush v58, $0x3;
	_ =	sdelay $0x2  }
0xb0: {  	s25 =	spop (v2sf);
	[tilespmem:$0x1130] =	vst v1  }
0xb1: {  	v1 =	vld [tilespmem:s25+$0x0];
	_ =	sdelay $0x1  }
0xb2: {  	(v2sf) =	vpush v58, $0x4;
	_ =	sdelay $0x2  }
0xb3: {  	s26 =	spop (v2sf);
	[tilespmem:$0x1131] =	vst v1  }
0xb4: {  	v1 =	vld [tilespmem:s26+$0x0];
	_ =	sdelay $0x1  }
0xb5: {  	(v2sf) =	vpush v58, $0x5;
	_ =	sdelay $0x2  }
0xb6: {  	s28 =	spop (v2sf);
	[tilespmem:$0x1132] =	vst v1  }
0xb7: {  	v1 =	vld [tilespmem:s28+$0x0];
	_ =	sdelay $0x1  }
0xb8: {  	(v2sf) =	vpush v58, $0x6;
	_ =	sdelay $0x2  }
0xb9: {  	s29 =	spop (v2sf);
	[tilespmem:$0x1133] =	vst v1  }
0xba: {  	v1 =	vld [tilespmem:s29+$0x0];
	_ =	sdelay $0x1  }
0xbb: {  	(v2sf) =	vpush v58, $0x7;
	_ =	sdelay $0x2  }
0xbc: {  	s30 =	spop (v2sf);
	[tilespmem:$0x1134] =	vst v1  }
0xbd: {  	v1 =	vld [tilespmem:s30+$0x0];
	_ =	sdelay $0x1  }
0xbe: {  	(v2sf) =	vpush v58, $0x8;
	_ =	sdelay $0x2  }
0xbf: {  	s31 =	spop (v2sf);
	[tilespmem:$0x1135] =	vst v1  }
0xc0: {  	v1 =	vld [tilespmem:s31+$0x0];
	_ =	sdelay $0x1  }
0xc1: {  	(v2sf) =	vpush v58, $0x9;
	_ =	sdelay $0x2  }
0xc2: {  	s6 =	spop (v2sf);
	[tilespmem:$0x1136] =	vst v1  }
0xc3: {  	v1 =	vld [tilespmem:s6+$0x0];
	_ =	sdelay $0x1  }
0xc4: {  	(v2sf) =	vpush v58, $0xA;
	_ =	sdelay $0x2  }
0xc5: {  	s7 =	spop (v2sf);
	[tilespmem:$0x1137] =	vst v1  }
0xc6: {  	v1 =	vld [tilespmem:s7+$0x0];
	_ =	sdelay $0x1  }
0xc7: {  	(v2sf) =	vpush v58, $0xB;
	_ =	sdelay $0x2  }
0xc8: {  	s8 =	spop (v2sf);
	[tilespmem:$0x1138] =	vst v1  }
0xc9: {  	v1 =	vld [tilespmem:s8+$0x0];
	_ =	sdelay $0x1  }
0xca: {  	(v2sf) =	vpush v58, $0xC;
	_ =	sdelay $0x2  }
0xcb: {  	s9 =	spop (v2sf);
	[tilespmem:$0x1139] =	vst v1  }
0xcc: {  	v1 =	vld [tilespmem:s9+$0x0];
	_ =	sdelay $0x1  }
0xcd: {  	(v2sf) =	vpush v58, $0xD;
	_ =	sdelay $0x2  }
0xce: {  	s10 =	spop (v2sf);
	[tilespmem:$0x113A] =	vst v1  }
0xcf: {  	v1 =	vld [tilespmem:s10+$0x0];
	_ =	sdelay $0x1  }
0xd0: {  	(v2sf) =	vpush v58, $0xE;
	_ =	sdelay $0x2  }
0xd1: {  	s11 =	spop (v2sf);
	[tilespmem:$0x113B] =	vst v1  }
0xd2: {  	v1 =	vld [tilespmem:s11+$0x0];
	_ =	sdelay $0x1  }
0xd3: {  	(v2sf) =	vpush v58, $0xF  }
0xd4: {  	v59 =	vld [tilespmem:$0x10C0];
	_ =	sdelay $0x1  }
0xd5: {  	s12 =	spop (v2sf);
	[tilespmem:$0x113C] =	vst v1  }
0xd6: {  	v1 =	vld [tilespmem:s12+$0x0];
	_ =	sdelay $0x1  }
0xd7: {  	(v2sf) =	vpush v59, $0x0;
	_ =	sdelay $0x2  }
0xd8: {  	s13 =	spop (v2sf);
	[tilespmem:$0x113D] =	vst v1  }
0xd9: {  	v1 =	vld [tilespmem:s13+$0x0];
	_ =	sdelay $0x1  }
0xda: {  	(v2sf) =	vpush v59, $0x1;
	_ =	sdelay $0x2  }
0xdb: {  	s14 =	spop (v2sf);
	[tilespmem:$0x113E] =	vst v1  }
0xdc: {  	v1 =	vld [tilespmem:s14+$0x0];
	_ =	sdelay $0x1  }
0xdd: {  	(v2sf) =	vpush v59, $0x2;
	_ =	sdelay $0x2  }
0xde: {  	s15 =	spop (v2sf);
	[tilespmem:$0x113F] =	vst v1  }
0xdf: {  	v1 =	vld [tilespmem:s15+$0x0];
	_ =	sdelay $0x1  }
0xe0: {  	(v2sf) =	vpush v59, $0x3;
	_ =	sdelay $0x2  }
0xe1: {  	s16 =	spop (v2sf);
	[tilespmem:$0x1140] =	vst v1  }
0xe2: {  	v1 =	vld [tilespmem:s16+$0x0];
	_ =	sdelay $0x1  }
0xe3: {  	(v2sf) =	vpush v59, $0x4;
	_ =	sdelay $0x2  }
0xe4: {  	s17 =	spop (v2sf);
	[tilespmem:$0x1141] =	vst v1  }
0xe5: {  	v1 =	vld [tilespmem:s17+$0x0];
	_ =	sdelay $0x1  }
0xe6: {  	(v2sf) =	vpush v59, $0x5;
	_ =	sdelay $0x2  }
0xe7: {  	s18 =	spop (v2sf);
	[tilespmem:$0x1142] =	vst v1  }
0xe8: {  	v1 =	vld [tilespmem:s18+$0x0];
	_ =	sdelay $0x1  }
0xe9: {  	(v2sf) =	vpush v59, $0x6;
	_ =	sdelay $0x2  }
0xea: {  	s19 =	spop (v2sf);
	[tilespmem:$0x1143] =	vst v1  }
0xeb: {  	v1 =	vld [tilespmem:s19+$0x0];
	_ =	sdelay $0x1  }
0xec: {  	(v2sf) =	vpush v59, $0x7;
	_ =	sdelay $0x2  }
0xed: {  	s20 =	spop (v2sf);
	[tilespmem:$0x1144] =	vst v1  }
0xee: {  	v1 =	vld [tilespmem:s20+$0x0];
	_ =	sdelay $0x1  }
0xef: {  	(v2sf) =	vpush v59, $0x8;
	_ =	sdelay $0x2  }
0xf0: {  	s21 =	spop (v2sf);
	[tilespmem:$0x1145] =	vst v1  }
0xf1: {  	v1 =	vld [tilespmem:s21+$0x0];
	_ =	sdelay $0x1  }
0xf2: {  	(v2sf) =	vpush v59, $0x9;
	_ =	sdelay $0x2  }
0xf3: {  	s22 =	spop (v2sf);
	[tilespmem:$0x1146] =	vst v1  }
0xf4: {  	v1 =	vld [tilespmem:s22+$0x0];
	_ =	sdelay $0x1  }
0xf5: {  	(v2sf) =	vpush v59, $0xA;
	_ =	sdelay $0x2  }
0xf6: {  	s23 =	spop (v2sf);
	[tilespmem:$0x1147] =	vst v1  }
0xf7: {  	v1 =	vld [tilespmem:s23+$0x0];
	_ =	sdelay $0x1  }
0xf8: {  	(v2sf) =	vpush v59, $0xB;
	_ =	sdelay $0x2  }
0xf9: {  	s24 =	spop (v2sf);
	[tilespmem:$0x1148] =	vst v1  }
0xfa: {  	v1 =	vld [tilespmem:s24+$0x0];
	_ =	sdelay $0x1  }
0xfb: {  	(v2sf) =	vpush v59, $0xC;
	_ =	sdelay $0x2  }
0xfc: {  	s25 =	spop (v2sf);
	[tilespmem:$0x1149] =	vst v1  }
0xfd: {  	v1 =	vld [tilespmem:s25+$0x0];
	_ =	sdelay $0x1  }
0xfe: {  	(v2sf) =	vpush v59, $0xD;
	_ =	sdelay $0x2  }
0xff: {  	s26 =	spop (v2sf);
	[tilespmem:$0x114A] =	vst v1  }
0x100: {  	v1 =	vld [tilespmem:s26+$0x0];
	_ =	sdelay $0x1  }
0x101: {  	(v2sf) =	vpush v59, $0xE;
	_ =	sdelay $0x2  }
0x102: {  	s28 =	spop (v2sf);
	[tilespmem:$0x114B] =	vst v1  }
0x103: {  	v1 =	vld [tilespmem:s28+$0x0];
	_ =	sdelay $0x1  }
0x104: {  	(v2sf) =	vpush v59, $0xF  }
0x105: {  	v60 =	vld [tilespmem:$0x10D0];
	_ =	sdelay $0x1  }
0x106: {  	s29 =	spop (v2sf);
	[tilespmem:$0x114C] =	vst v1  }
0x107: {  	v1 =	vld [tilespmem:s29+$0x0];
	_ =	sdelay $0x1  }
0x108: {  	(v2sf) =	vpush v60, $0x0;
	_ =	sdelay $0x2  }
0x109: {  	s30 =	spop (v2sf);
	[tilespmem:$0x114D] =	vst v1  }
0x10a: {  	v1 =	vld [tilespmem:s30+$0x0];
	_ =	sdelay $0x1  }
0x10b: {  	(v2sf) =	vpush v60, $0x1;
	_ =	sdelay $0x2  }
0x10c: {  	s31 =	spop (v2sf);
	[tilespmem:$0x114E] =	vst v1  }
0x10d: {  	v1 =	vld [tilespmem:s31+$0x0];
	_ =	sdelay $0x1  }
0x10e: {  	(v2sf) =	vpush v60, $0x2;
	_ =	sdelay $0x2  }
0x10f: {  	s6 =	spop (v2sf);
	[tilespmem:$0x114F] =	vst v1  }
0x110: {  	v1 =	vld [tilespmem:s6+$0x0];
	_ =	sdelay $0x1  }
0x111: {  	(v2sf) =	vpush v60, $0x3;
	_ =	sdelay $0x2  }
0x112: {  	s7 =	spop (v2sf);
	[tilespmem:$0x1150] =	vst v1  }
0x113: {  	v1 =	vld [tilespmem:s7+$0x0];
	_ =	sdelay $0x1  }
0x114: {  	(v2sf) =	vpush v60, $0x4;
	_ =	sdelay $0x2  }
0x115: {  	s8 =	spop (v2sf);
	[tilespmem:$0x1151] =	vst v1  }
0x116: {  	v1 =	vld [tilespmem:s8+$0x0];
	_ =	sdelay $0x1  }
0x117: {  	(v2sf) =	vpush v60, $0x5;
	_ =	sdelay $0x2  }
0x118: {  	s9 =	spop (v2sf);
	[tilespmem:$0x1152] =	vst v1  }
0x119: {  	v1 =	vld [tilespmem:s9+$0x0];
	_ =	sdelay $0x1  }
0x11a: {  	(v2sf) =	vpush v60, $0x6;
	_ =	sdelay $0x2  }
0x11b: {  	s10 =	spop (v2sf);
	[tilespmem:$0x1153] =	vst v1  }
0x11c: {  	v1 =	vld [tilespmem:s10+$0x0];
	_ =	sdelay $0x1  }
0x11d: {  	(v2sf) =	vpush v60, $0x7;
	_ =	sdelay $0x2  }
0x11e: {  	s11 =	spop (v2sf);
	[tilespmem:$0x1154] =	vst v1  }
0x11f: {  	v1 =	vld [tilespmem:s11+$0x0];
	_ =	sdelay $0x1  }
0x120: {  	(v2sf) =	vpush v60, $0x8;
	_ =	sdelay $0x2  }
0x121: {  	s12 =	spop (v2sf);
	[tilespmem:$0x1155] =	vst v1  }
0x122: {  	v1 =	vld [tilespmem:s12+$0x0];
	_ =	sdelay $0x1  }
0x123: {  	(v2sf) =	vpush v60, $0x9;
	_ =	sdelay $0x2  }
0x124: {  	s13 =	spop (v2sf);
	[tilespmem:$0x1156] =	vst v1  }
0x125: {  	v1 =	vld [tilespmem:s13+$0x0];
	_ =	sdelay $0x1  }
0x126: {  	(v2sf) =	vpush v60, $0xA;
	_ =	sdelay $0x2  }
0x127: {  	s14 =	spop (v2sf);
	[tilespmem:$0x1157] =	vst v1  }
0x128: {  	v1 =	vld [tilespmem:s14+$0x0];
	_ =	sdelay $0x1  }
0x129: {  	(v2sf) =	vpush v60, $0xB;
	_ =	sdelay $0x2  }
0x12a: {  	s15 =	spop (v2sf);
	[tilespmem:$0x1158] =	vst v1  }
0x12b: {  	v1 =	vld [tilespmem:s15+$0x0];
	_ =	sdelay $0x1  }
0x12c: {  	(v2sf) =	vpush v60, $0xC;
	_ =	sdelay $0x2  }
0x12d: {  	s16 =	spop (v2sf);
	[tilespmem:$0x1159] =	vst v1  }
0x12e: {  	v1 =	vld [tilespmem:s16+$0x0];
	_ =	sdelay $0x1  }
0x12f: {  	(v2sf) =	vpush v60, $0xD;
	_ =	sdelay $0x2  }
0x130: {  	s17 =	spop (v2sf);
	[tilespmem:$0x115A] =	vst v1  }
0x131: {  	v1 =	vld [tilespmem:s17+$0x0];
	_ =	sdelay $0x1  }
0x132: {  	(v2sf) =	vpush v60, $0xE;
	_ =	sdelay $0x2  }
0x133: {  	s18 =	spop (v2sf);
	[tilespmem:$0x115B] =	vst v1  }
0x134: {  	v1 =	vld [tilespmem:s18+$0x0];
	_ =	sdelay $0x1  }
0x135: {  	(v2sf) =	vpush v60, $0xF  }
0x136: {  	v61 =	vld [tilespmem:$0x10E0];
	_ =	sdelay $0x1  }
0x137: {  	s19 =	spop (v2sf);
	[tilespmem:$0x115C] =	vst v1  }
0x138: {  	v1 =	vld [tilespmem:s19+$0x0];
	_ =	sdelay $0x1  }
0x139: {  	(v2sf) =	vpush v61, $0x0;
	_ =	sdelay $0x2  }
0x13a: {  	s20 =	spop (v2sf);
	[tilespmem:$0x115D] =	vst v1  }
0x13b: {  	v1 =	vld [tilespmem:s20+$0x0];
	_ =	sdelay $0x1  }
0x13c: {  	(v2sf) =	vpush v61, $0x1;
	_ =	sdelay $0x2  }
0x13d: {  	s21 =	spop (v2sf);
	[tilespmem:$0x115E] =	vst v1  }
0x13e: {  	v1 =	vld [tilespmem:s21+$0x0];
	_ =	sdelay $0x1  }
0x13f: {  	(v2sf) =	vpush v61, $0x2;
	_ =	sdelay $0x2  }
0x140: {  	s22 =	spop (v2sf);
	[tilespmem:$0x115F] =	vst v1  }
0x141: {  	v1 =	vld [tilespmem:s22+$0x0];
	_ =	sdelay $0x1  }
0x142: {  	(v2sf) =	vpush v61, $0x3;
	_ =	sdelay $0x2  }
0x143: {  	s23 =	spop (v2sf);
	[tilespmem:$0x1160] =	vst v1  }
0x144: {  	v1 =	vld [tilespmem:s23+$0x0];
	_ =	sdelay $0x1  }
0x145: {  	(v2sf) =	vpush v61, $0x4;
	_ =	sdelay $0x2  }
0x146: {  	s24 =	spop (v2sf);
	[tilespmem:$0x1161] =	vst v1  }
0x147: {  	v1 =	vld [tilespmem:s24+$0x0];
	_ =	sdelay $0x1  }
0x148: {  	(v2sf) =	vpush v61, $0x5;
	_ =	sdelay $0x2  }
0x149: {  	s25 =	spop (v2sf);
	[tilespmem:$0x1162] =	vst v1  }
0x14a: {  	v1 =	vld [tilespmem:s25+$0x0];
	_ =	sdelay $0x1  }
0x14b: {  	(v2sf) =	vpush v61, $0x6;
	_ =	sdelay $0x2  }
0x14c: {  	s26 =	spop (v2sf);
	[tilespmem:$0x1163] =	vst v1  }
0x14d: {  	v1 =	vld [tilespmem:s26+$0x0];
	_ =	sdelay $0x1  }
0x14e: {  	(v2sf) =	vpush v61, $0x7;
	_ =	sdelay $0x2  }
0x14f: {  	s28 =	spop (v2sf);
	[tilespmem:$0x1164] =	vst v1  }
0x150: {  	v1 =	vld [tilespmem:s28+$0x0];
	_ =	sdelay $0x1  }
0x151: {  	(v2sf) =	vpush v61, $0x8;
	_ =	sdelay $0x2  }
0x152: {  	s29 =	spop (v2sf);
	[tilespmem:$0x1165] =	vst v1  }
0x153: {  	v1 =	vld [tilespmem:s29+$0x0];
	_ =	sdelay $0x1  }
0x154: {  	(v2sf) =	vpush v61, $0x9;
	_ =	sdelay $0x2  }
0x155: {  	s30 =	spop (v2sf);
	[tilespmem:$0x1166] =	vst v1  }
0x156: {  	v1 =	vld [tilespmem:s30+$0x0];
	_ =	sdelay $0x1  }
0x157: {  	(v2sf) =	vpush v61, $0xA;
	_ =	sdelay $0x2  }
0x158: {  	s31 =	spop (v2sf);
	[tilespmem:$0x1167] =	vst v1  }
0x159: {  	v1 =	vld [tilespmem:s31+$0x0];
	_ =	sdelay $0x1  }
0x15a: {  	(v2sf) =	vpush v61, $0xB;
	_ =	sdelay $0x2  }
0x15b: {  	s6 =	spop (v2sf);
	[tilespmem:$0x1168] =	vst v1  }
0x15c: {  	v1 =	vld [tilespmem:s6+$0x0];
	_ =	sdelay $0x1  }
0x15d: {  	(v2sf) =	vpush v61, $0xC;
	_ =	sdelay $0x2  }
0x15e: {  	s7 =	spop (v2sf);
	[tilespmem:$0x1169] =	vst v1  }
0x15f: {  	v1 =	vld [tilespmem:s7+$0x0];
	_ =	sdelay $0x1  }
0x160: {  	(v2sf) =	vpush v61, $0xD;
	_ =	sdelay $0x2  }
0x161: {  	s8 =	spop (v2sf);
	[tilespmem:$0x116A] =	vst v1  }
0x162: {  	v1 =	vld [tilespmem:s8+$0x0];
	_ =	sdelay $0x1  }
0x163: {  	(v2sf) =	vpush v61, $0xE;
	_ =	sdelay $0x2  }
0x164: {  	s9 =	spop (v2sf);
	[tilespmem:$0x116B] =	vst v1  }
0x165: {  	v1 =	vld [tilespmem:s9+$0x0];
	_ =	sdelay $0x1  }
0x166: {  	(v2sf) =	vpush v61, $0xF  }
0x167: {  	v62 =	vld [tilespmem:$0x10F0];
	_ =	sdelay $0x1  }
0x168: {  	s10 =	spop (v2sf);
	[tilespmem:$0x116C] =	vst v1  }
0x169: {  	v1 =	vld [tilespmem:s10+$0x0];
	_ =	sdelay $0x1  }
0x16a: {  	(v2sf) =	vpush v62, $0x0;
	_ =	sdelay $0x2  }
0x16b: {  	s11 =	spop (v2sf);
	[tilespmem:$0x116D] =	vst v1  }
0x16c: {  	v1 =	vld [tilespmem:s11+$0x0];
	_ =	sdelay $0x1  }
0x16d: {  	(v2sf) =	vpush v62, $0x1;
	_ =	sdelay $0x2  }
0x16e: {  	s12 =	spop (v2sf);
	[tilespmem:$0x116E] =	vst v1  }
0x16f: {  	v1 =	vld [tilespmem:s12+$0x0];
	_ =	sdelay $0x1  }
0x170: {  	(v2sf) =	vpush v62, $0x2;
	_ =	sdelay $0x2  }
0x171: {  	s13 =	spop (v2sf);
	[tilespmem:$0x116F] =	vst v1  }
0x172: {  	v1 =	vld [tilespmem:s13+$0x0];
	_ =	sdelay $0x1  }
0x173: {  	(v2sf) =	vpush v62, $0x3;
	_ =	sdelay $0x2  }
0x174: {  	s14 =	spop (v2sf);
	[tilespmem:$0x1170] =	vst v1  }
0x175: {  	v1 =	vld [tilespmem:s14+$0x0];
	_ =	sdelay $0x1  }
0x176: {  	(v2sf) =	vpush v62, $0x4;
	_ =	sdelay $0x2  }
0x177: {  	s15 =	spop (v2sf);
	[tilespmem:$0x1171] =	vst v1  }
0x178: {  	v1 =	vld [tilespmem:s15+$0x0];
	_ =	sdelay $0x1  }
0x179: {  	(v2sf) =	vpush v62, $0x5;
	_ =	sdelay $0x2  }
0x17a: {  	s16 =	spop (v2sf);
	[tilespmem:$0x1172] =	vst v1  }
0x17b: {  	v1 =	vld [tilespmem:s16+$0x0];
	_ =	sdelay $0x1  }
0x17c: {  	(v2sf) =	vpush v62, $0x6;
	_ =	sdelay $0x2  }
0x17d: {  	s17 =	spop (v2sf);
	[tilespmem:$0x1173] =	vst v1  }
0x17e: {  	v1 =	vld [tilespmem:s17+$0x0];
	_ =	sdelay $0x1  }
0x17f: {  	(v2sf) =	vpush v62, $0x7;
	_ =	sdelay $0x2  }
0x180: {  	s18 =	spop (v2sf);
	[tilespmem:$0x1174] =	vst v1  }
0x181: {  	v1 =	vld [tilespmem:s18+$0x0];
	_ =	sdelay $0x1  }
0x182: {  	(v2sf) =	vpush v62, $0x8;
	_ =	sdelay $0x2  }
0x183: {  	s19 =	spop (v2sf);
	[tilespmem:$0x1175] =	vst v1  }
0x184: {  	v1 =	vld [tilespmem:s19+$0x0];
	_ =	sdelay $0x1  }
0x185: {  	(v2sf) =	vpush v62, $0x9;
	_ =	sdelay $0x2  }
0x186: {  	s20 =	spop (v2sf);
	[tilespmem:$0x1176] =	vst v1  }
0x187: {  	v1 =	vld [tilespmem:s20+$0x0];
	_ =	sdelay $0x1  }
0x188: {  	(v2sf) =	vpush v62, $0xA;
	_ =	sdelay $0x2  }
0x189: {  	s21 =	spop (v2sf);
	[tilespmem:$0x1177] =	vst v1  }
0x18a: {  	v1 =	vld [tilespmem:s21+$0x0];
	_ =	sdelay $0x1  }
0x18b: {  	(v2sf) =	vpush v62, $0xB;
	_ =	sdelay $0x2  }
0x18c: {  	s22 =	spop (v2sf);
	[tilespmem:$0x1178] =	vst v1  }
0x18d: {  	v1 =	vld [tilespmem:s22+$0x0];
	_ =	sdelay $0x1  }
0x18e: {  	(v2sf) =	vpush v62, $0xC;
	_ =	sdelay $0x2  }
0x18f: {  	s23 =	spop (v2sf);
	[tilespmem:$0x1179] =	vst v1  }
0x190: {  	v1 =	vld [tilespmem:s23+$0x0];
	_ =	sdelay $0x1  }
0x191: {  	(v2sf) =	vpush v62, $0xD;
	_ =	sdelay $0x2  }
0x192: {  	s24 =	spop (v2sf);
	[tilespmem:$0x117A] =	vst v1  }
0x193: {  	v1 =	vld [tilespmem:s24+$0x0];
	_ =	sdelay $0x1  }
0x194: {  	(v2sf) =	vpush v62, $0xE;
	_ =	sdelay $0x2  }
0x195: {  	s25 =	spop (v2sf);
	[tilespmem:$0x117B] =	vst v1  }
0x196: {  	v1 =	vld [tilespmem:s25+$0x0];
	_ =	sdelay $0x1  }
0x197: {  	(v2sf) =	vpush v62, $0xF;
	_ =	sdelay $0x2  }
0x198: {  	s26 =	spop (v2sf);
	[tilespmem:$0x117C] =	vst v1  }
0x199: {  	v63 =	vld [tilespmem:s26+$0x0];
	_ =	sdelay $0x4  }
0x19a: {  	s28 =	spop (v2sf);
	[tilespmem:$0x117D] =	vst v63  }
0x19b: {  	v0 =	vld [tilespmem:s28+$0x0];
	_ =	sdelay $0x4  }
0x19c: {  	s29 =	spop (v2sf);
	[tilespmem:$0x117E] =	vst v0  }
0x19d: {  	v0 =	vld [tilespmem:s29+$0x0];
	_ =	sdelay $0x3  }
0x19e: {  	p0 =	sne.s32 s3, $0x1;
	s30 =	rddreg [dreg:$0x7]  }
.Ltmp0:
0x19f: {  	s31 =	rddreg [dreg:$0x8];
	[tilespmem:$0x117F] =	vst v0;
	(pc) =	sbr.rel @p0 .LBB2_1-.Ltmp0, $4  }
0x1a0: {  	[hbm4b:s30+s2] =	stream.linear.scatter [tilespmem:s31], [sflag:$0x1], $0x80, $0x38;
	[tilespmem:$0x1200] =	vst v63  }
0x1a1: {  	_ =	swait.ge [sflag:s4], $0x80  }
0x1a2: {  	[sflag:s4] =	ssyncset.done $0x0  }
0x1a3: {  	s3 =	sadd.s32 $0xFFFFFFFF, s3;
	[sflag:s4] =	ssyncadd.s32 $0xFFFFFF80  }
0x1a4: {  	_ =	sfence.sel $0x180000  }
0x1a5: {  	[bflag:$0x0] =	sbarrier.arrive $0xFFFF  }
0x1a6: {  	p0 =	sne.s32 s1, $0x0;
	_ =	strace $0x90000047  }
0x1a7: {  	s0 =	sadd.s32 @!p0 $0x100000, s0;
	[bflag:$0x2] =	sbarrier.arrive $0xFFFF  }
0x1a8: {  	[sflag:s0] =	ssyncadd.tile.s32 @!p0 $0x1;
	_ =	shalt  }
.Lfunc_end2:
_tile_overlayer_lowered:
.L_overlay_start_2:
0x1a9: {  	(tag) =	ssettag $0x2  }
0x1aa: {  	s0 =	rddreg [dreg:$0x0];
	s2 =	stileid.u32  }
0x1ab: {  	s1 =	rddreg [dreg:$0x1];
	p0 =	sne.s32 s2, $0x0  }
0x1ac: {  	s3 =	rddreg [dreg:$0x2];
	[bflag:$0x3] =	sbarrier.arrive $0xFFFF;
	s2 =	simm.s32 @!p0 $0x1C01  }
0x1ad: {  	[timem:s3], [sflag:s2] =	dma.local @!p0 [hbm:s0], s1  }
0x1ae: {  	s0 =	simm.s32 @!p0 $0x1  }
0x1af: {  	_ =	swait.ge @!p0 [sflag:s0], s1  }
0x1b0: {  	s1 =	ssub.s32 @!p0 $0x0, s1;
	[sflag:s0] =	ssyncset.done @!p0 $0x0  }
0x1b1: {  	[sflag:s0] =	ssyncadd.s32 @!p0 s1  }
0x1b2: {  	[bflag:$0x3] =	sbarrier.arrive $0xFFFF  }
0x1b3: {  	_ =	shalt  }

</sc_bundles>
